<compile_context>
chip_gen: v7x
topology: tpu7x:2x2x1
jax: 0.10.2.dev20260603
libtpu: 0.0.44.dev20260713+nightly
codegen_flags: <defaults>
</compile_context>

<pallas_src>
import functools

import jax
import jax.numpy as jnp
from jax import lax
from jax.experimental import pallas as pl
from jax.experimental.pallas import tpu as pltpu
from jax.experimental.pallas import tpu_sc as plsc

NC = 2
NS = 16
CHUNK = 104


def _matmul_body(x_ref, w_ref, cj_ref, o_ref):
    o_ref[...] = (
        jnp.dot(x_ref[...], w_ref[...], preferred_element_type=jnp.float32)
        * cj_ref[...]
    )


def _combine_body(p_ref, ci_ref, o_ref):
    o_ref[...] = (p_ref[0] + p_ref[1]) * ci_ref[...]


def _make_sc_kernel(n, n_acc, d, e_tile):
    rows_per_tile = n_acc // NS
    n_full, tail = divmod(e_tile, CHUNK)
    assert n_full >= 4 and n_full % 2 == 0 and tail % 8 == 0
    mesh = plsc.VectorSubcoreMesh(
        core_axis_name="c", subcore_axis_name="s",
        num_cores=NC, num_subcores=NS)

    @functools.partial(
        pl.kernel,
        mesh=mesh,
        out_type=jax.ShapeDtypeStruct((NC, n_acc, d), jnp.float32),
        scratch_types=[
            pltpu.VMEM((e_tile,), jnp.int32),
            pltpu.VMEM((e_tile,), jnp.int32),
            pltpu.VMEM((CHUNK, d), jnp.float32),
            pltpu.VMEM((CHUNK, d), jnp.float32),
            pltpu.VMEM_SHARED((n_acc, d), jnp.float32),
            pltpu.SemaphoreType.DMA,
            pltpu.SemaphoreType.DMA,
            pltpu.SemaphoreType.DMA,
            pltpu.SemaphoreType.DMA,
        ],
    )
    def sc_kernel(h_hbm, src_hbm, dst_hbm, out_hbm,
                  src_v, dst_v, b0, b1, acc,
                  g0, g1, s0, s1):
        c = lax.axis_index("c")
        s = lax.axis_index("s")
        wid = c * NS + s
        bufs = [b0, b1]
        gsems = [g0, g1]
        ssems = [s0, s1]

        def gather(j, b, m=CHUNK):
            idx = src_v.at[pl.ds(j * CHUNK, m)]
            dst = bufs[b] if m == CHUNK else bufs[b].at[pl.ds(0, m)]
            return pltpu.make_async_copy(h_hbm.at[idx], dst, gsems[b])

        def scatter(j, b, m=CHUNK):
            idx = dst_v.at[pl.ds(j * CHUNK, m)]
            srcb = bufs[b] if m == CHUNK else bufs[b].at[pl.ds(0, m)]
            return pltpu.make_async_copy(srcb, acc.at[idx], ssems[b])

        base_e = wid * e_tile
        pltpu.sync_copy(src_hbm.at[pl.ds(base_e, e_tile)], src_v)
        pltpu.sync_copy(dst_hbm.at[pl.ds(base_e, e_tile)], dst_v)

        zv = jnp.zeros((16,), jnp.float32)

        def zero_row(i, carry):
            for jj in range(d // 16):
                b0[i, pl.ds(jj * 16, 16)] = zv
            return carry

        lax.fori_loop(0, CHUNK, zero_row, 0)
        zfull, ztail = divmod(rows_per_tile, CHUNK)
        zbase = s * rows_per_tile
        zcopies = []
        for k in range(zfull):
            zcopies.append(pltpu.async_copy(
                b0, acc.at[pl.ds(zbase + k * CHUNK, CHUNK)], ssems[k % 2]))
        if ztail:
            zcopies.append(pltpu.async_copy(
                b0.at[pl.ds(0, ztail)],
                acc.at[pl.ds(zbase + zfull * CHUNK, ztail)], ssems[zfull % 2]))
        for cp in zcopies:
            cp.wait()
        plsc.subcore_barrier()

        gather(0, 0).start()
        gather(0, 0).wait()
        scatter(0, 0).start(add=True)
        gather(1, 1).start()
        gather(1, 1).wait()
        scatter(1, 1).start(add=True)
        scatter(0, 0).wait()
        gather(2, 0).start()

        @pl.loop(2, n_full - 2, step=2)
        def _chunk_pair(j):
            gather(j, 0).wait()
            scatter(j, 0).start(add=True)
            scatter(j - 1, 1).wait()
            gather(j + 1, 1).start()
            gather(j + 1, 1).wait()
            scatter(j + 1, 1).start(add=True)
            scatter(j, 0).wait()
            gather(j + 2, 0).start()

        jl = n_full - 2
        gather(jl, 0).wait()
        scatter(jl, 0).start(add=True)
        scatter(jl - 1, 1).wait()
        gather(jl + 1, 1).start()
        gather(jl + 1, 1).wait()
        scatter(jl + 1, 1).start(add=True)
        scatter(jl, 0).wait()
        if tail:
            gather(n_full, 0, tail).start()
            gather(n_full, 0, tail).wait()
            scatter(n_full, 0, tail).start(add=True)
        scatter(jl + 1, 1).wait()
        if tail:
            scatter(n_full, 0, tail).wait()
        plsc.subcore_barrier()

        pltpu.sync_copy(acc.at[pl.ds(zbase, rows_per_tile)],
                        out_hbm.at[c, pl.ds(zbase, rows_per_tile)])

    return sc_kernel


def kernel(x, edge_index, cj, ci, W):
    n, d_in = x.shape
    d_out = W.shape[1]
    e = edge_index.shape[1]

    grid1 = 10
    h = pl.pallas_call(
        _matmul_body,
        grid=(grid1,),
        in_specs=[
            pl.BlockSpec((n // grid1, d_in), lambda i: (i, 0)),
            pl.BlockSpec((d_in, d_out), lambda i: (0, 0)),
            pl.BlockSpec((n // grid1, 1), lambda i: (i, 0)),
        ],
        out_specs=pl.BlockSpec((n // grid1, d_out), lambda i: (i, 0)),
        out_shape=jax.ShapeDtypeStruct((n, d_out), jnp.float32),
    )(x, W, cj)

    n_tiles = NC * NS
    e_tile = e // n_tiles
    n_acc = -(-n // (NS * 8)) * NS * 8

    partials = _make_sc_kernel(n, n_acc, d_out, e_tile)(
        h, edge_index[0], edge_index[1])

    grid3 = 5
    rst = pl.pallas_call(
        _combine_body,
        grid=(grid3,),
        in_specs=[
            pl.BlockSpec((NC, n // grid3, d_out), lambda i: (0, i, 0)),
            pl.BlockSpec((n // grid3, 1), lambda i: (i, 0)),
        ],
        out_specs=pl.BlockSpec((n // grid3, d_out), lambda i: (i, 0)),
        out_shape=jax.ShapeDtypeStruct((n, d_out), jnp.float32),
    )(partials, ci)
    return rst

# --- scband reference (transcript-rebuilt; emitter-appended) ---
"""Pipeline reference for scband-gcmcgraph-conv-223338299478 (READ-ONLY COPY).

The authoritative reference and input builder live on the scoring server;
editing this copy changes nothing except your own understanding.
"""

import jax, jax.numpy as jnp
import numpy as np

N = 10000
E = 320000
D_IN = 128
D_OUT = 128


def setup_inputs(seed: int = 0) -> dict:
    key = jax.random.key(seed)
    k1, k2, k3, k4, k5 = jax.random.split(key, 5)
    x = jax.random.normal(k1, (N, D_IN), dtype=jnp.float32)
    edge_index = jax.random.randint(k2, (2, E), 0, N, dtype=jnp.int32)
    cj = jax.random.uniform(k3, (N, 1), dtype=jnp.float32)
    ci = jax.random.uniform(k4, (N, 1), dtype=jnp.float32)
    # xavier_uniform init for weight [input_dim, output_dim]
    limit = float(np.sqrt(6.0 / (D_IN + D_OUT)))
    W = jax.random.uniform(k5, (D_IN, D_OUT), minval=-limit, maxval=limit, dtype=jnp.float32)
    return {"x": x, "edge_index": edge_index, "cj": cj, "ci": ci, "W": W}


def reference(x, edge_index, cj, ci, W):
    # dot_or_identity: x is 2D float feature matrix -> x @ W
    h = x @ W
    # input_feat = input_feat * dropout(cj); dropout_rate=0 -> identity
    h = h * cj
    # update_all(copy_src('h','m'), sum('m','h')): gather from src, scatter-add to dst
    src = edge_index[0]
    dst = edge_index[1]
    msg = jnp.take(h, src, axis=0)
    agg = jax.ops.segment_sum(msg, dst, num_segments=x.shape[0])
    # rst = rst * ci
    rst = agg * ci
    return rst

if __name__ == "__main__":
    import jax
    _d = setup_inputs()
    print(jax.jit(kernel)(*tuple(_d.values())))

</pallas_src>

<mosaic_0001>
#map = affine_map<(d0, d1) -> (0, 0)>
#map1 = affine_map<(d0, d1) -> (0)>
#map2 = affine_map<(d0, d1) -> (0, 0, 0)>
module attributes {stable_mosaic.version = 14 : i64} {
  func.func @sc_kernel(%arg0: i32, %arg1: i32, %arg2: memref<10000x128xf32, #tpu.memory_space<hbm>>, %arg3: memref<320000xi32, #tpu.memory_space<hbm>>, %arg4: memref<320000xi32, #tpu.memory_space<hbm>>, %arg5: memref<2x10112x128xf32, #tpu.memory_space<hbm>>, %arg6: memref<10000xi32, #tpu.memory_space<vmem>>, %arg7: memref<10000xi32, #tpu.memory_space<vmem>>, %arg8: memref<104x128xf32, #tpu.memory_space<vmem>>, %arg9: memref<104x128xf32, #tpu.memory_space<vmem>>, %arg10: memref<10112x128xf32, #tpu.memory_space<vmem_shared>>, %arg11: memref<!tpu.dma_semaphore, #tpu.memory_space<semaphore_mem>>, %arg12: memref<!tpu.dma_semaphore, #tpu.memory_space<semaphore_mem>>, %arg13: memref<!tpu.dma_semaphore, #tpu.memory_space<semaphore_mem>>, %arg14: memref<!tpu.dma_semaphore, #tpu.memory_space<semaphore_mem>>) attributes {dimension_semantics = [#tpu.dimension_semantics<core_parallel>, #tpu.dimension_semantics<subcore_parallel>], iteration_bounds = array<i64: 2, 16>, scalar_prefetch = 0 : i64, scratch_operands = 9 : i64, tpu.core_type = #tpu.core_type<sc_vector_subcore>, window_params = [{transform_indices = #map}, {transform_indices = #map1}, {transform_indices = #map1}, {transform_indices = #map2}]} {
    %mul3A = arith.constant 16 : i32
    %mul3A_0 = arith.muli %arg0, %mul3A : i32
    %add3A = arith.addi %mul3A_0, %arg1 : i32
    %mul3A_1 = arith.constant 10000 : i32
    %mul3A_2 = arith.muli %add3A, %mul3A_1 : i32
    "tpu.region"() ({
      %run_scoped3A = tpu.sem_alloc : memref<!tpu.dma_semaphore, #tpu.memory_space<semaphore_mem>>
      %dma_start3A_209 = tpu.memref_slice %arg3[%mul3A_2] : memref<320000xi32, #tpu.memory_space<hbm>> -> memref<10000xi32, #tpu.memory_space<hbm>>
      %dma_start3A_210 = tpu.memref_slice %arg3[%mul3A_2] : memref<320000xi32, #tpu.memory_space<hbm>> -> memref<10000xi32, #tpu.memory_space<hbm>>
      tpu.enqueue_dma source(%dma_start3A_210 : memref<10000xi32, #tpu.memory_space<hbm>>) target(%arg6 : memref<10000xi32, #tpu.memory_space<vmem>>) target_semaphore(%run_scoped3A : memref<!tpu.dma_semaphore, #tpu.memory_space<semaphore_mem>>)
      %dma_wait3A_211 = tpu.memref_slice %arg3[%mul3A_2] : memref<320000xi32, #tpu.memory_space<hbm>> -> memref<10000xi32, #tpu.memory_space<hbm>>
      %dma_wait3A_212 = tpu.memref_slice %arg3[%mul3A_2] : memref<320000xi32, #tpu.memory_space<hbm>> -> memref<10000xi32, #tpu.memory_space<hbm>>
      tpu.wait_dma2 semaphore(%run_scoped3A : memref<!tpu.dma_semaphore, #tpu.memory_space<semaphore_mem>>) src(%dma_wait3A_212 : memref<10000xi32, #tpu.memory_space<hbm>>) dst(%arg6 : memref<10000xi32, #tpu.memory_space<vmem>>)
      tpu.yield
    }) : () -> ()
    "tpu.region"() ({
      %run_scoped3A = tpu.sem_alloc : memref<!tpu.dma_semaphore, #tpu.memory_space<semaphore_mem>>
      %dma_start3A_209 = tpu.memref_slice %arg4[%mul3A_2] : memref<320000xi32, #tpu.memory_space<hbm>> -> memref<10000xi32, #tpu.memory_space<hbm>>
      %dma_start3A_210 = tpu.memref_slice %arg4[%mul3A_2] : memref<320000xi32, #tpu.memory_space<hbm>> -> memref<10000xi32, #tpu.memory_space<hbm>>
      tpu.enqueue_dma source(%dma_start3A_210 : memref<10000xi32, #tpu.memory_space<hbm>>) target(%arg7 : memref<10000xi32, #tpu.memory_space<vmem>>) target_semaphore(%run_scoped3A : memref<!tpu.dma_semaphore, #tpu.memory_space<semaphore_mem>>)
      %dma_wait3A_211 = tpu.memref_slice %arg4[%mul3A_2] : memref<320000xi32, #tpu.memory_space<hbm>> -> memref<10000xi32, #tpu.memory_space<hbm>>
      %dma_wait3A_212 = tpu.memref_slice %arg4[%mul3A_2] : memref<320000xi32, #tpu.memory_space<hbm>> -> memref<10000xi32, #tpu.memory_space<hbm>>
      tpu.wait_dma2 semaphore(%run_scoped3A : memref<!tpu.dma_semaphore, #tpu.memory_space<semaphore_mem>>) src(%dma_wait3A_212 : memref<10000xi32, #tpu.memory_space<hbm>>) dst(%arg7 : memref<10000xi32, #tpu.memory_space<vmem>>)
      tpu.yield
    }) : () -> ()
    %broadcast_in_dim3A = arith.constant 0.000000e+00 : f32
    %broadcast_in_dim3A_3 = vector.broadcast %broadcast_in_dim3A : f32 to vector<16xf32>
    %scan3A = arith.constant 0 : i32
    %scan3A_4 = arith.constant 0 : i32
    %scan3A_5 = arith.constant 104 : i32
    %scan3A_6 = arith.addi %scan3A_4, %scan3A_5 : i32
    %scan3A_7 = arith.constant 1 : i32
    scf.for %scan3A_209 = %scan3A_4 to %scan3A_6 step %scan3A_7  : i32 {
      %swap3A = arith.index_cast %scan3A_209 : i32 to index
      %swap3A_210 = arith.constant 0 : index
      %swap3A_211 = tpu.vector_load %arg8[%swap3A, %swap3A_210] {strides = array<i32>} : memref<104x128xf32, #tpu.memory_space<vmem>>, vector<1x16xf32>,
      %swap3A_212 = vector.shape_cast %swap3A_211 : vector<1x16xf32> to vector<16xf32>
      %swap3A_213 = vector.shape_cast %broadcast_in_dim3A_3 : vector<16xf32> to vector<1x16xf32>
      tpu.vector_store %arg8[%swap3A, %swap3A_210], %swap3A_213 {strides = array<i32>} : memref<104x128xf32, #tpu.memory_space<vmem>>, vector<1x16xf32>,
      %swap3A_214 = arith.index_cast %scan3A_209 : i32 to index
      %swap3A_215 = arith.constant 16 : index
      %swap3A_216 = tpu.vector_load %arg8[%swap3A_214, %swap3A_215] {strides = array<i32>} : memref<104x128xf32, #tpu.memory_space<vmem>>, vector<1x16xf32>,
      %swap3A_217 = vector.shape_cast %swap3A_216 : vector<1x16xf32> to vector<16xf32>
      %swap3A_218 = vector.shape_cast %broadcast_in_dim3A_3 : vector<16xf32> to vector<1x16xf32>
      tpu.vector_store %arg8[%swap3A_214, %swap3A_215], %swap3A_218 {strides = array<i32>} : memref<104x128xf32, #tpu.memory_space<vmem>>, vector<1x16xf32>,
      %swap3A_219 = arith.index_cast %scan3A_209 : i32 to index
      %swap3A_220 = arith.constant 32 : index
      %swap3A_221 = tpu.vector_load %arg8[%swap3A_219, %swap3A_220] {strides = array<i32>} : memref<104x128xf32, #tpu.memory_space<vmem>>, vector<1x16xf32>,
      %swap3A_222 = vector.shape_cast %swap3A_221 : vector<1x16xf32> to vector<16xf32>
      %swap3A_223 = vector.shape_cast %broadcast_in_dim3A_3 : vector<16xf32> to vector<1x16xf32>
      tpu.vector_store %arg8[%swap3A_219, %swap3A_220], %swap3A_223 {strides = array<i32>} : memref<104x128xf32, #tpu.memory_space<vmem>>, vector<1x16xf32>,
      %swap3A_224 = arith.index_cast %scan3A_209 : i32 to index
      %swap3A_225 = arith.constant 48 : index
      %swap3A_226 = tpu.vector_load %arg8[%swap3A_224, %swap3A_225] {strides = array<i32>} : memref<104x128xf32, #tpu.memory_space<vmem>>, vector<1x16xf32>,
      %swap3A_227 = vector.shape_cast %swap3A_226 : vector<1x16xf32> to vector<16xf32>
      %swap3A_228 = vector.shape_cast %broadcast_in_dim3A_3 : vector<16xf32> to vector<1x16xf32>
      tpu.vector_store %arg8[%swap3A_224, %swap3A_225], %swap3A_228 {strides = array<i32>} : memref<104x128xf32, #tpu.memory_space<vmem>>, vector<1x16xf32>,
      %swap3A_229 = arith.index_cast %scan3A_209 : i32 to index
      %swap3A_230 = arith.constant 64 : index
      %swap3A_231 = tpu.vector_load %arg8[%swap3A_229, %swap3A_230] {strides = array<i32>} : memref<104x128xf32, #tpu.memory_space<vmem>>, vector<1x16xf32>,
      %swap3A_232 = vector.shape_cast %swap3A_231 : vector<1x16xf32> to vector<16xf32>
      %swap3A_233 = vector.shape_cast %broadcast_in_dim3A_3 : vector<16xf32> to vector<1x16xf32>
      tpu.vector_store %arg8[%swap3A_229, %swap3A_230], %swap3A_233 {strides = array<i32>} : memref<104x128xf32, #tpu.memory_space<vmem>>, vector<1x16xf32>,
      %swap3A_234 = arith.index_cast %scan3A_209 : i32 to index
      %swap3A_235 = arith.constant 80 : index
      %swap3A_236 = tpu.vector_load %arg8[%swap3A_234, %swap3A_235] {strides = array<i32>} : memref<104x128xf32, #tpu.memory_space<vmem>>, vector<1x16xf32>,
      %swap3A_237 = vector.shape_cast %swap3A_236 : vector<1x16xf32> to vector<16xf32>
      %swap3A_238 = vector.shape_cast %broadcast_in_dim3A_3 : vector<16xf32> to vector<1x16xf32>
      tpu.vector_store %arg8[%swap3A_234, %swap3A_235], %swap3A_238 {strides = array<i32>} : memref<104x128xf32, #tpu.memory_space<vmem>>, vector<1x16xf32>,
      %swap3A_239 = arith.index_cast %scan3A_209 : i32 to index
      %swap3A_240 = arith.constant 96 : index
      %swap3A_241 = tpu.vector_load %arg8[%swap3A_239, %swap3A_240] {strides = array<i32>} : memref<104x128xf32, #tpu.memory_space<vmem>>, vector<1x16xf32>,
      %swap3A_242 = vector.shape_cast %swap3A_241 : vector<1x16xf32> to vector<16xf32>
      %swap3A_243 = vector.shape_cast %broadcast_in_dim3A_3 : vector<16xf32> to vector<1x16xf32>
      tpu.vector_store %arg8[%swap3A_239, %swap3A_240], %swap3A_243 {strides = array<i32>} : memref<104x128xf32, #tpu.memory_space<vmem>>, vector<1x16xf32>,
      %swap3A_244 = arith.index_cast %scan3A_209 : i32 to index
      %swap3A_245 = arith.constant 112 : index
      %swap3A_246 = tpu.vector_load %arg8[%swap3A_244, %swap3A_245] {strides = array<i32>} : memref<104x128xf32, #tpu.memory_space<vmem>>, vector<1x16xf32>,
      %swap3A_247 = vector.shape_cast %swap3A_246 : vector<1x16xf32> to vector<16xf32>
      %swap3A_248 = vector.shape_cast %broadcast_in_dim3A_3 : vector<16xf32> to vector<1x16xf32>
      tpu.vector_store %arg8[%swap3A_244, %swap3A_245], %swap3A_248 {strides = array<i32>} : memref<104x128xf32, #tpu.memory_space<vmem>>, vector<1x16xf32>,
    }
    %scan3A_8 = arith.constant 104 : i32
    %mul3A_9 = arith.constant 632 : i32
    %mul3A_10 = arith.muli %arg1, %mul3A_9 : i32
    %add3A_11 = arith.constant 0 : i32
    %add3A_12 = arith.addi %mul3A_10, %add3A_11 : i32
    %dma_start3A = arith.constant 0 : i32
    %dma_start3A_13 = tpu.memref_slice %arg10[%add3A_12, %dma_start3A] : memref<10112x128xf32, #tpu.memory_space<vmem_shared>> -> memref<104x128xf32, #tpu.memory_space<vmem_shared>>
    %dma_start3A_14 = arith.constant 0 : i32
    %dma_start3A_15 = tpu.memref_slice %arg10[%add3A_12, %dma_start3A_14] : memref<10112x128xf32, #tpu.memory_space<vmem_shared>> -> memref<104x128xf32, #tpu.memory_space<vmem_shared>>
    tpu.enqueue_dma source(%arg8 : memref<104x128xf32, #tpu.memory_space<vmem>>) target(%dma_start3A_15 : memref<104x128xf32, #tpu.memory_space<vmem_shared>>) target_semaphore(%arg13 : memref<!tpu.dma_semaphore, #tpu.memory_space<semaphore_mem>>)
    %add3A_16 = arith.constant 104 : i32
    %add3A_17 = arith.addi %mul3A_10, %add3A_16 : i32
    %dma_start3A_18 = arith.constant 0 : i32
    %dma_start3A_19 = tpu.memref_slice %arg10[%add3A_17, %dma_start3A_18] : memref<10112x128xf32, #tpu.memory_space<vmem_shared>> -> memref<104x128xf32, #tpu.memory_space<vmem_shared>>
    %dma_start3A_20 = arith.constant 0 : i32
    %dma_start3A_21 = tpu.memref_slice %arg10[%add3A_17, %dma_start3A_20] : memref<10112x128xf32, #tpu.memory_space<vmem_shared>> -> memref<104x128xf32, #tpu.memory_space<vmem_shared>>
    tpu.enqueue_dma source(%arg8 : memref<104x128xf32, #tpu.memory_space<vmem>>) target(%dma_start3A_21 : memref<104x128xf32, #tpu.memory_space<vmem_shared>>) target_semaphore(%arg14 : memref<!tpu.dma_semaphore, #tpu.memory_space<semaphore_mem>>)
    %add3A_22 = arith.constant 208 : i32
    %add3A_23 = arith.addi %mul3A_10, %add3A_22 : i32
    %dma_start3A_24 = arith.constant 0 : i32
    %dma_start3A_25 = tpu.memref_slice %arg10[%add3A_23, %dma_start3A_24] : memref<10112x128xf32, #tpu.memory_space<vmem_shared>> -> memref<104x128xf32, #tpu.memory_space<vmem_shared>>
    %dma_start3A_26 = arith.constant 0 : i32
    %dma_start3A_27 = tpu.memref_slice %arg10[%add3A_23, %dma_start3A_26] : memref<10112x128xf32, #tpu.memory_space<vmem_shared>> -> memref<104x128xf32, #tpu.memory_space<vmem_shared>>
    tpu.enqueue_dma source(%arg8 : memref<104x128xf32, #tpu.memory_space<vmem>>) target(%dma_start3A_27 : memref<104x128xf32, #tpu.memory_space<vmem_shared>>) target_semaphore(%arg13 : memref<!tpu.dma_semaphore, #tpu.memory_space<semaphore_mem>>)
    %add3A_28 = arith.constant 312 : i32
    %add3A_29 = arith.addi %mul3A_10, %add3A_28 : i32
    %dma_start3A_30 = arith.constant 0 : i32
    %dma_start3A_31 = tpu.memref_slice %arg10[%add3A_29, %dma_start3A_30] : memref<10112x128xf32, #tpu.memory_space<vmem_shared>> -> memref<104x128xf32, #tpu.memory_space<vmem_shared>>
    %dma_start3A_32 = arith.constant 0 : i32
    %dma_start3A_33 = tpu.memref_slice %arg10[%add3A_29, %dma_start3A_32] : memref<10112x128xf32, #tpu.memory_space<vmem_shared>> -> memref<104x128xf32, #tpu.memory_space<vmem_shared>>
    tpu.enqueue_dma source(%arg8 : memref<104x128xf32, #tpu.memory_space<vmem>>) target(%dma_start3A_33 : memref<104x128xf32, #tpu.memory_space<vmem_shared>>) target_semaphore(%arg14 : memref<!tpu.dma_semaphore, #tpu.memory_space<semaphore_mem>>)
    %add3A_34 = arith.constant 416 : i32
    %add3A_35 = arith.addi %mul3A_10, %add3A_34 : i32
    %dma_start3A_36 = arith.constant 0 : i32
    %dma_start3A_37 = tpu.memref_slice %arg10[%add3A_35, %dma_start3A_36] : memref<10112x128xf32, #tpu.memory_space<vmem_shared>> -> memref<104x128xf32, #tpu.memory_space<vmem_shared>>
    %dma_start3A_38 = arith.constant 0 : i32
    %dma_start3A_39 = tpu.memref_slice %arg10[%add3A_35, %dma_start3A_38] : memref<10112x128xf32, #tpu.memory_space<vmem_shared>> -> memref<104x128xf32, #tpu.memory_space<vmem_shared>>
    tpu.enqueue_dma source(%arg8 : memref<104x128xf32, #tpu.memory_space<vmem>>) target(%dma_start3A_39 : memref<104x128xf32, #tpu.memory_space<vmem_shared>>) target_semaphore(%arg13 : memref<!tpu.dma_semaphore, #tpu.memory_space<semaphore_mem>>)
    %add3A_40 = arith.constant 520 : i32
    %add3A_41 = arith.addi %mul3A_10, %add3A_40 : i32
    %dma_start3A_42 = arith.constant 0 : i32
    %dma_start3A_43 = tpu.memref_slice %arg10[%add3A_41, %dma_start3A_42] : memref<10112x128xf32, #tpu.memory_space<vmem_shared>> -> memref<104x128xf32, #tpu.memory_space<vmem_shared>>
    %dma_start3A_44 = arith.constant 0 : i32
    %dma_start3A_45 = tpu.memref_slice %arg10[%add3A_41, %dma_start3A_44] : memref<10112x128xf32, #tpu.memory_space<vmem_shared>> -> memref<104x128xf32, #tpu.memory_space<vmem_shared>>
    tpu.enqueue_dma source(%arg8 : memref<104x128xf32, #tpu.memory_space<vmem>>) target(%dma_start3A_45 : memref<104x128xf32, #tpu.memory_space<vmem_shared>>) target_semaphore(%arg14 : memref<!tpu.dma_semaphore, #tpu.memory_space<semaphore_mem>>)
    %add3A_46 = arith.constant 624 : i32
    %add3A_47 = arith.addi %mul3A_10, %add3A_46 : i32
    %dma_start3A_48 = arith.constant 0 : i32
    %dma_start3A_49 = arith.constant 0 : i32
    %dma_start3A_50 = tpu.memref_slice %arg8[%dma_start3A_48, %dma_start3A_49] : memref<104x128xf32, #tpu.memory_space<vmem>> -> memref<8x128xf32, #tpu.memory_space<vmem>>
    %dma_start3A_51 = arith.constant 0 : i32
    %dma_start3A_52 = tpu.memref_slice %arg10[%add3A_47, %dma_start3A_51] : memref<10112x128xf32, #tpu.memory_space<vmem_shared>> -> memref<8x128xf32, #tpu.memory_space<vmem_shared>>
    %dma_start3A_53 = arith.constant 0 : i32
    %dma_start3A_54 = tpu.memref_slice %arg10[%add3A_47, %dma_start3A_53] : memref<10112x128xf32, #tpu.memory_space<vmem_shared>> -> memref<8x128xf32, #tpu.memory_space<vmem_shared>>
    %dma_start3A_55 = arith.constant 0 : i32
    %dma_start3A_56 = arith.constant 0 : i32
    %dma_start3A_57 = tpu.memref_slice %arg8[%dma_start3A_55, %dma_start3A_56] : memref<104x128xf32, #tpu.memory_space<vmem>> -> memref<8x128xf32, #tpu.memory_space<vmem>>
    tpu.enqueue_dma source(%dma_start3A_57 : memref<8x128xf32, #tpu.memory_space<vmem>>) target(%dma_start3A_54 : memref<8x128xf32, #tpu.memory_space<vmem_shared>>) target_semaphore(%arg13 : memref<!tpu.dma_semaphore, #tpu.memory_space<semaphore_mem>>)
    %dma_wait3A = arith.constant 0 : i32
    %dma_wait3A_58 = tpu.memref_slice %arg10[%add3A_12, %dma_wait3A] : memref<10112x128xf32, #tpu.memory_space<vmem_shared>> -> memref<104x128xf32, #tpu.memory_space<vmem_shared>>
    %dma_wait3A_59 = arith.constant 0 : i32
    %dma_wait3A_60 = tpu.memref_slice %arg10[%add3A_12, %dma_wait3A_59] : memref<10112x128xf32, #tpu.memory_space<vmem_shared>> -> memref<104x128xf32, #tpu.memory_space<vmem_shared>>
    tpu.wait_dma2 semaphore(%arg13 : memref<!tpu.dma_semaphore, #tpu.memory_space<semaphore_mem>>) src(%arg8 : memref<104x128xf32, #tpu.memory_space<vmem>>) dst(%dma_wait3A_60 : memref<104x128xf32, #tpu.memory_space<vmem_shared>>)
    %dma_wait3A_61 = arith.constant 0 : i32
    %dma_wait3A_62 = tpu.memref_slice %arg10[%add3A_17, %dma_wait3A_61] : memref<10112x128xf32, #tpu.memory_space<vmem_shared>> -> memref<104x128xf32, #tpu.memory_space<vmem_shared>>
    %dma_wait3A_63 = arith.constant 0 : i32
    %dma_wait3A_64 = tpu.memref_slice %arg10[%add3A_17, %dma_wait3A_63] : memref<10112x128xf32, #tpu.memory_space<vmem_shared>> -> memref<104x128xf32, #tpu.memory_space<vmem_shared>>
    tpu.wait_dma2 semaphore(%arg14 : memref<!tpu.dma_semaphore, #tpu.memory_space<semaphore_mem>>) src(%arg8 : memref<104x128xf32, #tpu.memory_space<vmem>>) dst(%dma_wait3A_64 : memref<104x128xf32, #tpu.memory_space<vmem_shared>>)
    %dma_wait3A_65 = arith.constant 0 : i32
    %dma_wait3A_66 = tpu.memref_slice %arg10[%add3A_23, %dma_wait3A_65] : memref<10112x128xf32, #tpu.memory_space<vmem_shared>> -> memref<104x128xf32, #tpu.memory_space<vmem_shared>>
    %dma_wait3A_67 = arith.constant 0 : i32
    %dma_wait3A_68 = tpu.memref_slice %arg10[%add3A_23, %dma_wait3A_67] : memref<10112x128xf32, #tpu.memory_space<vmem_shared>> -> memref<104x128xf32, #tpu.memory_space<vmem_shared>>
    tpu.wait_dma2 semaphore(%arg13 : memref<!tpu.dma_semaphore, #tpu.memory_space<semaphore_mem>>) src(%arg8 : memref<104x128xf32, #tpu.memory_space<vmem>>) dst(%dma_wait3A_68 : memref<104x128xf32, #tpu.memory_space<vmem_shared>>)
    %dma_wait3A_69 = arith.constant 0 : i32
    %dma_wait3A_70 = tpu.memref_slice %arg10[%add3A_29, %dma_wait3A_69] : memref<10112x128xf32, #tpu.memory_space<vmem_shared>> -> memref<104x128xf32, #tpu.memory_space<vmem_shared>>
    %dma_wait3A_71 = arith.constant 0 : i32
    %dma_wait3A_72 = tpu.memref_slice %arg10[%add3A_29, %dma_wait3A_71] : memref<10112x128xf32, #tpu.memory_space<vmem_shared>> -> memref<104x128xf32, #tpu.memory_space<vmem_shared>>
    tpu.wait_dma2 semaphore(%arg14 : memref<!tpu.dma_semaphore, #tpu.memory_space<semaphore_mem>>) src(%arg8 : memref<104x128xf32, #tpu.memory_space<vmem>>) dst(%dma_wait3A_72 : memref<104x128xf32, #tpu.memory_space<vmem_shared>>)
    %dma_wait3A_73 = arith.constant 0 : i32
    %dma_wait3A_74 = tpu.memref_slice %arg10[%add3A_35, %dma_wait3A_73] : memref<10112x128xf32, #tpu.memory_space<vmem_shared>> -> memref<104x128xf32, #tpu.memory_space<vmem_shared>>
    %dma_wait3A_75 = arith.constant 0 : i32
    %dma_wait3A_76 = tpu.memref_slice %arg10[%add3A_35, %dma_wait3A_75] : memref<10112x128xf32, #tpu.memory_space<vmem_shared>> -> memref<104x128xf32, #tpu.memory_space<vmem_shared>>
    tpu.wait_dma2 semaphore(%arg13 : memref<!tpu.dma_semaphore, #tpu.memory_space<semaphore_mem>>) src(%arg8 : memref<104x128xf32, #tpu.memory_space<vmem>>) dst(%dma_wait3A_76 : memref<104x128xf32, #tpu.memory_space<vmem_shared>>)
    %dma_wait3A_77 = arith.constant 0 : i32
    %dma_wait3A_78 = tpu.memref_slice %arg10[%add3A_41, %dma_wait3A_77] : memref<10112x128xf32, #tpu.memory_space<vmem_shared>> -> memref<104x128xf32, #tpu.memory_space<vmem_shared>>
    %dma_wait3A_79 = arith.constant 0 : i32
    %dma_wait3A_80 = tpu.memref_slice %arg10[%add3A_41, %dma_wait3A_79] : memref<10112x128xf32, #tpu.memory_space<vmem_shared>> -> memref<104x128xf32, #tpu.memory_space<vmem_shared>>
    tpu.wait_dma2 semaphore(%arg14 : memref<!tpu.dma_semaphore, #tpu.memory_space<semaphore_mem>>) src(%arg8 : memref<104x128xf32, #tpu.memory_space<vmem>>) dst(%dma_wait3A_80 : memref<104x128xf32, #tpu.memory_space<vmem_shared>>)
    %dma_wait3A_81 = arith.constant 0 : i32
    %dma_wait3A_82 = arith.constant 0 : i32
    %dma_wait3A_83 = tpu.memref_slice %arg8[%dma_wait3A_81, %dma_wait3A_82] : memref<104x128xf32, #tpu.memory_space<vmem>> -> memref<8x128xf32, #tpu.memory_space<vmem>>
    %dma_wait3A_84 = arith.constant 0 : i32
    %dma_wait3A_85 = tpu.memref_slice %arg10[%add3A_47, %dma_wait3A_84] : memref<10112x128xf32, #tpu.memory_space<vmem_shared>> -> memref<8x128xf32, #tpu.memory_space<vmem_shared>>
    %dma_wait3A_86 = arith.constant 0 : i32
    %dma_wait3A_87 = tpu.memref_slice %arg10[%add3A_47, %dma_wait3A_86] : memref<10112x128xf32, #tpu.memory_space<vmem_shared>> -> memref<8x128xf32, #tpu.memory_space<vmem_shared>>
    %dma_wait3A_88 = arith.constant 0 : i32
    %dma_wait3A_89 = arith.constant 0 : i32
    %dma_wait3A_90 = tpu.memref_slice %arg8[%dma_wait3A_88, %dma_wait3A_89] : memref<104x128xf32, #tpu.memory_space<vmem>> -> memref<8x128xf32, #tpu.memory_space<vmem>>
    tpu.wait_dma2 semaphore(%arg13 : memref<!tpu.dma_semaphore, #tpu.memory_space<semaphore_mem>>) src(%dma_wait3A_90 : memref<8x128xf32, #tpu.memory_space<vmem>>) dst(%dma_wait3A_87 : memref<8x128xf32, #tpu.memory_space<vmem_shared>>)
    %barrier3A = arith.constant 0 : index
    tpu.barrier barrier_id(%barrier3A)
    %dma_start3A_91 = arith.constant 0 : i32
    %dma_start3A_92 = tpu.memref_slice %arg6[%dma_start3A_91] : memref<10000xi32, #tpu.memory_space<vmem>> -> memref<104xi32, #tpu.memory_space<vmem>>
    %dma_start3A_93 = arith.constant 0 : i32
    %dma_start3A_94 = arith.constant 0 : i32
    %dma_start3A_95 = tpu.memref_slice %arg2[%dma_start3A_93, %dma_start3A_94] : memref<10000x128xf32, #tpu.memory_space<hbm>> -> memref<10000x128xf32, #tpu.memory_space<hbm>>
    tpu.enqueue_indirect_dma source(%dma_start3A_95 : memref<10000x128xf32, #tpu.memory_space<hbm>>) target(%arg8 : memref<104x128xf32, #tpu.memory_space<vmem>>) offsets(%dma_start3A_92 : memref<104xi32, #tpu.memory_space<vmem>>) semaphore(%arg11 : memref<!tpu.dma_semaphore, #tpu.memory_space<semaphore_mem>>)
    %dma_wait3A_96 = arith.constant 0 : i32
    %dma_wait3A_97 = tpu.memref_slice %arg6[%dma_wait3A_96] : memref<10000xi32, #tpu.memory_space<vmem>> -> memref<104xi32, #tpu.memory_space<vmem>>
    %dma_wait3A_98 = arith.constant 0 : i32
    %dma_wait3A_99 = arith.constant 0 : i32
    %dma_wait3A_100 = tpu.memref_slice %arg2[%dma_wait3A_98, %dma_wait3A_99] : memref<10000x128xf32, #tpu.memory_space<hbm>> -> memref<10000x128xf32, #tpu.memory_space<hbm>>
    tpu.wait_indirect_dma semaphore(%arg11 : memref<!tpu.dma_semaphore, #tpu.memory_space<semaphore_mem>>) src(%dma_wait3A_100 : memref<10000x128xf32, #tpu.memory_space<hbm>>) dst(%arg8 : memref<104x128xf32, #tpu.memory_space<vmem>>)
    %dma_start3A_101 = arith.constant 0 : i32
    %dma_start3A_102 = tpu.memref_slice %arg7[%dma_start3A_101] : memref<10000xi32, #tpu.memory_space<vmem>> -> memref<104xi32, #tpu.memory_space<vmem>>
    %dma_start3A_103 = arith.constant 0 : i32
    %dma_start3A_104 = arith.constant 0 : i32
    %dma_start3A_105 = tpu.memref_slice %arg10[%dma_start3A_103, %dma_start3A_104] : memref<10112x128xf32, #tpu.memory_space<vmem_shared>> -> memref<10112x128xf32, #tpu.memory_space<vmem_shared>>
    tpu.enqueue_indirect_dma source(%arg8 : memref<104x128xf32, #tpu.memory_space<vmem>>) target(%dma_start3A_105 : memref<10112x128xf32, #tpu.memory_space<vmem_shared>>) offsets(%dma_start3A_102 : memref<104xi32, #tpu.memory_space<vmem>>) semaphore(%arg13 : memref<!tpu.dma_semaphore, #tpu.memory_space<semaphore_mem>>) {add = true}
    %dma_start3A_106 = arith.constant 104 : i32
    %dma_start3A_107 = tpu.memref_slice %arg6[%dma_start3A_106] : memref<10000xi32, #tpu.memory_space<vmem>> -> memref<104xi32, #tpu.memory_space<vmem>>
    %dma_start3A_108 = arith.constant 0 : i32
    %dma_start3A_109 = arith.constant 0 : i32
    %dma_start3A_110 = tpu.memref_slice %arg2[%dma_start3A_108, %dma_start3A_109] : memref<10000x128xf32, #tpu.memory_space<hbm>> -> memref<10000x128xf32, #tpu.memory_space<hbm>>
    tpu.enqueue_indirect_dma source(%dma_start3A_110 : memref<10000x128xf32, #tpu.memory_space<hbm>>) target(%arg9 : memref<104x128xf32, #tpu.memory_space<vmem>>) offsets(%dma_start3A_107 : memref<104xi32, #tpu.memory_space<vmem>>) semaphore(%arg12 : memref<!tpu.dma_semaphore, #tpu.memory_space<semaphore_mem>>)
    %dma_wait3A_111 = arith.constant 104 : i32
    %dma_wait3A_112 = tpu.memref_slice %arg6[%dma_wait3A_111] : memref<10000xi32, #tpu.memory_space<vmem>> -> memref<104xi32, #tpu.memory_space<vmem>>
    %dma_wait3A_113 = arith.constant 0 : i32
    %dma_wait3A_114 = arith.constant 0 : i32
    %dma_wait3A_115 = tpu.memref_slice %arg2[%dma_wait3A_113, %dma_wait3A_114] : memref<10000x128xf32, #tpu.memory_space<hbm>> -> memref<10000x128xf32, #tpu.memory_space<hbm>>
    tpu.wait_indirect_dma semaphore(%arg12 : memref<!tpu.dma_semaphore, #tpu.memory_space<semaphore_mem>>) src(%dma_wait3A_115 : memref<10000x128xf32, #tpu.memory_space<hbm>>) dst(%arg9 : memref<104x128xf32, #tpu.memory_space<vmem>>)
    %dma_start3A_116 = arith.constant 104 : i32
    %dma_start3A_117 = tpu.memref_slice %arg7[%dma_start3A_116] : memref<10000xi32, #tpu.memory_space<vmem>> -> memref<104xi32, #tpu.memory_space<vmem>>
    %dma_start3A_118 = arith.constant 0 : i32
    %dma_start3A_119 = arith.constant 0 : i32
    %dma_start3A_120 = tpu.memref_slice %arg10[%dma_start3A_118, %dma_start3A_119] : memref<10112x128xf32, #tpu.memory_space<vmem_shared>> -> memref<10112x128xf32, #tpu.memory_space<vmem_shared>>
    tpu.enqueue_indirect_dma source(%arg9 : memref<104x128xf32, #tpu.memory_space<vmem>>) target(%dma_start3A_120 : memref<10112x128xf32, #tpu.memory_space<vmem_shared>>) offsets(%dma_start3A_117 : memref<104xi32, #tpu.memory_space<vmem>>) semaphore(%arg14 : memref<!tpu.dma_semaphore, #tpu.memory_space<semaphore_mem>>) {add = true}
    %dma_wait3A_121 = arith.constant 0 : i32
    %dma_wait3A_122 = tpu.memref_slice %arg7[%dma_wait3A_121] : memref<10000xi32, #tpu.memory_space<vmem>> -> memref<104xi32, #tpu.memory_space<vmem>>
    %dma_wait3A_123 = arith.constant 0 : i32
    %dma_wait3A_124 = arith.constant 0 : i32
    %dma_wait3A_125 = tpu.memref_slice %arg10[%dma_wait3A_123, %dma_wait3A_124] : memref<10112x128xf32, #tpu.memory_space<vmem_shared>> -> memref<10112x128xf32, #tpu.memory_space<vmem_shared>>
    tpu.wait_indirect_dma semaphore(%arg13 : memref<!tpu.dma_semaphore, #tpu.memory_space<semaphore_mem>>) src(%arg8 : memref<104x128xf32, #tpu.memory_space<vmem>>) dst(%dma_wait3A_125 : memref<10112x128xf32, #tpu.memory_space<vmem_shared>>)
    %dma_start3A_126 = arith.constant 208 : i32
    %dma_start3A_127 = tpu.memref_slice %arg6[%dma_start3A_126] : memref<10000xi32, #tpu.memory_space<vmem>> -> memref<104xi32, #tpu.memory_space<vmem>>
    %dma_start3A_128 = arith.constant 0 : i32
    %dma_start3A_129 = arith.constant 0 : i32
    %dma_start3A_130 = tpu.memref_slice %arg2[%dma_start3A_128, %dma_start3A_129] : memref<10000x128xf32, #tpu.memory_space<hbm>> -> memref<10000x128xf32, #tpu.memory_space<hbm>>
    tpu.enqueue_indirect_dma source(%dma_start3A_130 : memref<10000x128xf32, #tpu.memory_space<hbm>>) target(%arg8 : memref<104x128xf32, #tpu.memory_space<vmem>>) offsets(%dma_start3A_127 : memref<104xi32, #tpu.memory_space<vmem>>) semaphore(%arg11 : memref<!tpu.dma_semaphore, #tpu.memory_space<semaphore_mem>>)
    %scan3A_131 = arith.constant 0 : i32
    %scan3A_132 = arith.constant 46 : i32
    %scan3A_133 = arith.addi %scan3A_131, %scan3A_132 : i32
    %scan3A_134 = arith.constant 1 : i32
    scf.for %scan3A_209 = %scan3A_131 to %scan3A_133 step %scan3A_134  : i32 {
      %mul3A_210 = arith.constant 2 : i32
      %mul3A_211 = arith.muli %scan3A_209, %mul3A_210 : i32
      %add3A_212 = arith.constant 2 : i32
      %add3A_213 = arith.addi %add3A_212, %mul3A_211 : i32
      %mul3A_214 = arith.constant 104 : i32
      %mul3A_215 = arith.muli %add3A_213, %mul3A_214 : i32
      %dma_wait3A_216 = tpu.memref_slice %arg6[%mul3A_215] : memref<10000xi32, #tpu.memory_space<vmem>> -> memref<104xi32, #tpu.memory_space<vmem>>
      %dma_wait3A_217 = arith.constant 0 : i32
      %dma_wait3A_218 = arith.constant 0 : i32
      %dma_wait3A_219 = tpu.memref_slice %arg2[%dma_wait3A_217, %dma_wait3A_218] : memref<10000x128xf32, #tpu.memory_space<hbm>> -> memref<10000x128xf32, #tpu.memory_space<hbm>>
      tpu.wait_indirect_dma semaphore(%arg11 : memref<!tpu.dma_semaphore, #tpu.memory_space<semaphore_mem>>) src(%dma_wait3A_219 : memref<10000x128xf32, #tpu.memory_space<hbm>>) dst(%arg8 : memref<104x128xf32, #tpu.memory_space<vmem>>)
      %mul3A_220 = arith.constant 104 : i32
      %mul3A_221 = arith.muli %add3A_213, %mul3A_220 : i32
      %dma_start3A_222 = tpu.memref_slice %arg7[%mul3A_221] : memref<10000xi32, #tpu.memory_space<vmem>> -> memref<104xi32, #tpu.memory_space<vmem>>
      %dma_start3A_223 = arith.constant 0 : i32
      %dma_start3A_224 = arith.constant 0 : i32
      %dma_start3A_225 = tpu.memref_slice %arg10[%dma_start3A_223, %dma_start3A_224] : memref<10112x128xf32, #tpu.memory_space<vmem_shared>> -> memref<10112x128xf32, #tpu.memory_space<vmem_shared>>
      tpu.enqueue_indirect_dma source(%arg8 : memref<104x128xf32, #tpu.memory_space<vmem>>) target(%dma_start3A_225 : memref<10112x128xf32, #tpu.memory_space<vmem_shared>>) offsets(%dma_start3A_222 : memref<104xi32, #tpu.memory_space<vmem>>) semaphore(%arg13 : memref<!tpu.dma_semaphore, #tpu.memory_space<semaphore_mem>>) {add = true}
      %sub3A = arith.constant 1 : i32
      %sub3A_226 = arith.subi %add3A_213, %sub3A : i32
      %mul3A_227 = arith.constant 104 : i32
      %mul3A_228 = arith.muli %sub3A_226, %mul3A_227 : i32
      %dma_wait3A_229 = tpu.memref_slice %arg7[%mul3A_228] : memref<10000xi32, #tpu.memory_space<vmem>> -> memref<104xi32, #tpu.memory_space<vmem>>
      %dma_wait3A_230 = arith.constant 0 : i32
      %dma_wait3A_231 = arith.constant 0 : i32
      %dma_wait3A_232 = tpu.memref_slice %arg10[%dma_wait3A_230, %dma_wait3A_231] : memref<10112x128xf32, #tpu.memory_space<vmem_shared>> -> memref<10112x128xf32, #tpu.memory_space<vmem_shared>>
      tpu.wait_indirect_dma semaphore(%arg14 : memref<!tpu.dma_semaphore, #tpu.memory_space<semaphore_mem>>) src(%arg9 : memref<104x128xf32, #tpu.memory_space<vmem>>) dst(%dma_wait3A_232 : memref<10112x128xf32, #tpu.memory_space<vmem_shared>>)
      %add3A_233 = arith.constant 1 : i32
      %add3A_234 = arith.addi %add3A_213, %add3A_233 : i32
      %mul3A_235 = arith.constant 104 : i32
      %mul3A_236 = arith.muli %add3A_234, %mul3A_235 : i32
      %dma_start3A_237 = tpu.memref_slice %arg6[%mul3A_236] : memref<10000xi32, #tpu.memory_space<vmem>> -> memref<104xi32, #tpu.memory_space<vmem>>
      %dma_start3A_238 = arith.constant 0 : i32
      %dma_start3A_239 = arith.constant 0 : i32
      %dma_start3A_240 = tpu.memref_slice %arg2[%dma_start3A_238, %dma_start3A_239] : memref<10000x128xf32, #tpu.memory_space<hbm>> -> memref<10000x128xf32, #tpu.memory_space<hbm>>
      tpu.enqueue_indirect_dma source(%dma_start3A_240 : memref<10000x128xf32, #tpu.memory_space<hbm>>) target(%arg9 : memref<104x128xf32, #tpu.memory_space<vmem>>) offsets(%dma_start3A_237 : memref<104xi32, #tpu.memory_space<vmem>>) semaphore(%arg12 : memref<!tpu.dma_semaphore, #tpu.memory_space<semaphore_mem>>)
      %add3A_241 = arith.constant 1 : i32
      %add3A_242 = arith.addi %add3A_213, %add3A_241 : i32
      %mul3A_243 = arith.constant 104 : i32
      %mul3A_244 = arith.muli %add3A_242, %mul3A_243 : i32
      %dma_wait3A_245 = tpu.memref_slice %arg6[%mul3A_244] : memref<10000xi32, #tpu.memory_space<vmem>> -> memref<104xi32, #tpu.memory_space<vmem>>
      %dma_wait3A_246 = arith.constant 0 : i32
      %dma_wait3A_247 = arith.constant 0 : i32
      %dma_wait3A_248 = tpu.memref_slice %arg2[%dma_wait3A_246, %dma_wait3A_247] : memref<10000x128xf32, #tpu.memory_space<hbm>> -> memref<10000x128xf32, #tpu.memory_space<hbm>>
      tpu.wait_indirect_dma semaphore(%arg12 : memref<!tpu.dma_semaphore, #tpu.memory_space<semaphore_mem>>) src(%dma_wait3A_248 : memref<10000x128xf32, #tpu.memory_space<hbm>>) dst(%arg9 : memref<104x128xf32, #tpu.memory_space<vmem>>)
      %add3A_249 = arith.constant 1 : i32
      %add3A_250 = arith.addi %add3A_213, %add3A_249 : i32
      %mul3A_251 = arith.constant 104 : i32
      %mul3A_252 = arith.muli %add3A_250, %mul3A_251 : i32
      %dma_start3A_253 = tpu.memref_slice %arg7[%mul3A_252] : memref<10000xi32, #tpu.memory_space<vmem>> -> memref<104xi32, #tpu.memory_space<vmem>>
      %dma_start3A_254 = arith.constant 0 : i32
      %dma_start3A_255 = arith.constant 0 : i32
      %dma_start3A_256 = tpu.memref_slice %arg10[%dma_start3A_254, %dma_start3A_255] : memref<10112x128xf32, #tpu.memory_space<vmem_shared>> -> memref<10112x128xf32, #tpu.memory_space<vmem_shared>>
      tpu.enqueue_indirect_dma source(%arg9 : memref<104x128xf32, #tpu.memory_space<vmem>>) target(%dma_start3A_256 : memref<10112x128xf32, #tpu.memory_space<vmem_shared>>) offsets(%dma_start3A_253 : memref<104xi32, #tpu.memory_space<vmem>>) semaphore(%arg14 : memref<!tpu.dma_semaphore, #tpu.memory_space<semaphore_mem>>) {add = true}
      %mul3A_257 = arith.constant 104 : i32
      %mul3A_258 = arith.muli %add3A_213, %mul3A_257 : i32
      %dma_wait3A_259 = tpu.memref_slice %arg7[%mul3A_258] : memref<10000xi32, #tpu.memory_space<vmem>> -> memref<104xi32, #tpu.memory_space<vmem>>
      %dma_wait3A_260 = arith.constant 0 : i32
      %dma_wait3A_261 = arith.constant 0 : i32
      %dma_wait3A_262 = tpu.memref_slice %arg10[%dma_wait3A_260, %dma_wait3A_261] : memref<10112x128xf32, #tpu.memory_space<vmem_shared>> -> memref<10112x128xf32, #tpu.memory_space<vmem_shared>>
      tpu.wait_indirect_dma semaphore(%arg13 : memref<!tpu.dma_semaphore, #tpu.memory_space<semaphore_mem>>) src(%arg8 : memref<104x128xf32, #tpu.memory_space<vmem>>) dst(%dma_wait3A_262 : memref<10112x128xf32, #tpu.memory_space<vmem_shared>>)
      %add3A_263 = arith.constant 2 : i32
      %add3A_264 = arith.addi %add3A_213, %add3A_263 : i32
      %mul3A_265 = arith.constant 104 : i32
      %mul3A_266 = arith.muli %add3A_264, %mul3A_265 : i32
      %dma_start3A_267 = tpu.memref_slice %arg6[%mul3A_266] : memref<10000xi32, #tpu.memory_space<vmem>> -> memref<104xi32, #tpu.memory_space<vmem>>
      %dma_start3A_268 = arith.constant 0 : i32
      %dma_start3A_269 = arith.constant 0 : i32
      %dma_start3A_270 = tpu.memref_slice %arg2[%dma_start3A_268, %dma_start3A_269] : memref<10000x128xf32, #tpu.memory_space<hbm>> -> memref<10000x128xf32, #tpu.memory_space<hbm>>
      tpu.enqueue_indirect_dma source(%dma_start3A_270 : memref<10000x128xf32, #tpu.memory_space<hbm>>) target(%arg8 : memref<104x128xf32, #tpu.memory_space<vmem>>) offsets(%dma_start3A_267 : memref<104xi32, #tpu.memory_space<vmem>>) semaphore(%arg11 : memref<!tpu.dma_semaphore, #tpu.memory_space<semaphore_mem>>)
    }
    %scan3A_135 = arith.constant 46 : i32
    %dma_wait3A_136 = arith.constant 9776 : i32
    %dma_wait3A_137 = tpu.memref_slice %arg6[%dma_wait3A_136] : memref<10000xi32, #tpu.memory_space<vmem>> -> memref<104xi32, #tpu.memory_space<vmem>>
    %dma_wait3A_138 = arith.constant 0 : i32
    %dma_wait3A_139 = arith.constant 0 : i32
    %dma_wait3A_140 = tpu.memref_slice %arg2[%dma_wait3A_138, %dma_wait3A_139] : memref<10000x128xf32, #tpu.memory_space<hbm>> -> memref<10000x128xf32, #tpu.memory_space<hbm>>
    tpu.wait_indirect_dma semaphore(%arg11 : memref<!tpu.dma_semaphore, #tpu.memory_space<semaphore_mem>>) src(%dma_wait3A_140 : memref<10000x128xf32, #tpu.memory_space<hbm>>) dst(%arg8 : memref<104x128xf32, #tpu.memory_space<vmem>>)
    %dma_start3A_141 = arith.constant 9776 : i32
    %dma_start3A_142 = tpu.memref_slice %arg7[%dma_start3A_141] : memref<10000xi32, #tpu.memory_space<vmem>> -> memref<104xi32, #tpu.memory_space<vmem>>
    %dma_start3A_143 = arith.constant 0 : i32
    %dma_start3A_144 = arith.constant 0 : i32
    %dma_start3A_145 = tpu.memref_slice %arg10[%dma_start3A_143, %dma_start3A_144] : memref<10112x128xf32, #tpu.memory_space<vmem_shared>> -> memref<10112x128xf32, #tpu.memory_space<vmem_shared>>
    tpu.enqueue_indirect_dma source(%arg8 : memref<104x128xf32, #tpu.memory_space<vmem>>) target(%dma_start3A_145 : memref<10112x128xf32, #tpu.memory_space<vmem_shared>>) offsets(%dma_start3A_142 : memref<104xi32, #tpu.memory_space<vmem>>) semaphore(%arg13 : memref<!tpu.dma_semaphore, #tpu.memory_space<semaphore_mem>>) {add = true}
    %dma_wait3A_146 = arith.constant 9672 : i32
    %dma_wait3A_147 = tpu.memref_slice %arg7[%dma_wait3A_146] : memref<10000xi32, #tpu.memory_space<vmem>> -> memref<104xi32, #tpu.memory_space<vmem>>
    %dma_wait3A_148 = arith.constant 0 : i32
    %dma_wait3A_149 = arith.constant 0 : i32
    %dma_wait3A_150 = tpu.memref_slice %arg10[%dma_wait3A_148, %dma_wait3A_149] : memref<10112x128xf32, #tpu.memory_space<vmem_shared>> -> memref<10112x128xf32, #tpu.memory_space<vmem_shared>>
    tpu.wait_indirect_dma semaphore(%arg14 : memref<!tpu.dma_semaphore, #tpu.memory_space<semaphore_mem>>) src(%arg9 : memref<104x128xf32, #tpu.memory_space<vmem>>) dst(%dma_wait3A_150 : memref<10112x128xf32, #tpu.memory_space<vmem_shared>>)
    %dma_start3A_151 = arith.constant 9880 : i32
    %dma_start3A_152 = tpu.memref_slice %arg6[%dma_start3A_151] : memref<10000xi32, #tpu.memory_space<vmem>> -> memref<104xi32, #tpu.memory_space<vmem>>
    %dma_start3A_153 = arith.constant 0 : i32
    %dma_start3A_154 = arith.constant 0 : i32
    %dma_start3A_155 = tpu.memref_slice %arg2[%dma_start3A_153, %dma_start3A_154] : memref<10000x128xf32, #tpu.memory_space<hbm>> -> memref<10000x128xf32, #tpu.memory_space<hbm>>
    tpu.enqueue_indirect_dma source(%dma_start3A_155 : memref<10000x128xf32, #tpu.memory_space<hbm>>) target(%arg9 : memref<104x128xf32, #tpu.memory_space<vmem>>) offsets(%dma_start3A_152 : memref<104xi32, #tpu.memory_space<vmem>>) semaphore(%arg12 : memref<!tpu.dma_semaphore, #tpu.memory_space<semaphore_mem>>)
    %dma_wait3A_156 = arith.constant 9880 : i32
    %dma_wait3A_157 = tpu.memref_slice %arg6[%dma_wait3A_156] : memref<10000xi32, #tpu.memory_space<vmem>> -> memref<104xi32, #tpu.memory_space<vmem>>
    %dma_wait3A_158 = arith.constant 0 : i32
    %dma_wait3A_159 = arith.constant 0 : i32
    %dma_wait3A_160 = tpu.memref_slice %arg2[%dma_wait3A_158, %dma_wait3A_159] : memref<10000x128xf32, #tpu.memory_space<hbm>> -> memref<10000x128xf32, #tpu.memory_space<hbm>>
    tpu.wait_indirect_dma semaphore(%arg12 : memref<!tpu.dma_semaphore, #tpu.memory_space<semaphore_mem>>) src(%dma_wait3A_160 : memref<10000x128xf32, #tpu.memory_space<hbm>>) dst(%arg9 : memref<104x128xf32, #tpu.memory_space<vmem>>)
    %dma_start3A_161 = arith.constant 9880 : i32
    %dma_start3A_162 = tpu.memref_slice %arg7[%dma_start3A_161] : memref<10000xi32, #tpu.memory_space<vmem>> -> memref<104xi32, #tpu.memory_space<vmem>>
    %dma_start3A_163 = arith.constant 0 : i32
    %dma_start3A_164 = arith.constant 0 : i32
    %dma_start3A_165 = tpu.memref_slice %arg10[%dma_start3A_163, %dma_start3A_164] : memref<10112x128xf32, #tpu.memory_space<vmem_shared>> -> memref<10112x128xf32, #tpu.memory_space<vmem_shared>>
    tpu.enqueue_indirect_dma source(%arg9 : memref<104x128xf32, #tpu.memory_space<vmem>>) target(%dma_start3A_165 : memref<10112x128xf32, #tpu.memory_space<vmem_shared>>) offsets(%dma_start3A_162 : memref<104xi32, #tpu.memory_space<vmem>>) semaphore(%arg14 : memref<!tpu.dma_semaphore, #tpu.memory_space<semaphore_mem>>) {add = true}
    %dma_wait3A_166 = arith.constant 9776 : i32
    %dma_wait3A_167 = tpu.memref_slice %arg7[%dma_wait3A_166] : memref<10000xi32, #tpu.memory_space<vmem>> -> memref<104xi32, #tpu.memory_space<vmem>>
    %dma_wait3A_168 = arith.constant 0 : i32
    %dma_wait3A_169 = arith.constant 0 : i32
    %dma_wait3A_170 = tpu.memref_slice %arg10[%dma_wait3A_168, %dma_wait3A_169] : memref<10112x128xf32, #tpu.memory_space<vmem_shared>> -> memref<10112x128xf32, #tpu.memory_space<vmem_shared>>
    tpu.wait_indirect_dma semaphore(%arg13 : memref<!tpu.dma_semaphore, #tpu.memory_space<semaphore_mem>>) src(%arg8 : memref<104x128xf32, #tpu.memory_space<vmem>>) dst(%dma_wait3A_170 : memref<10112x128xf32, #tpu.memory_space<vmem_shared>>)
    %dma_start3A_171 = arith.constant 0 : i32
    %dma_start3A_172 = arith.constant 0 : i32
    %dma_start3A_173 = tpu.memref_slice %arg8[%dma_start3A_171, %dma_start3A_172] : memref<104x128xf32, #tpu.memory_space<vmem>> -> memref<16x128xf32, #tpu.memory_space<vmem>>
    %dma_start3A_174 = arith.constant 9984 : i32
    %dma_start3A_175 = tpu.memref_slice %arg6[%dma_start3A_174] : memref<10000xi32, #tpu.memory_space<vmem>> -> memref<16xi32, #tpu.memory_space<vmem>>
    %dma_start3A_176 = arith.constant 0 : i32
    %dma_start3A_177 = arith.constant 0 : i32
    %dma_start3A_178 = tpu.memref_slice %arg2[%dma_start3A_176, %dma_start3A_177] : memref<10000x128xf32, #tpu.memory_space<hbm>> -> memref<10000x128xf32, #tpu.memory_space<hbm>>
    tpu.enqueue_indirect_dma source(%dma_start3A_178 : memref<10000x128xf32, #tpu.memory_space<hbm>>) target(%dma_start3A_173 : memref<16x128xf32, #tpu.memory_space<vmem>>) offsets(%dma_start3A_175 : memref<16xi32, #tpu.memory_space<vmem>>) semaphore(%arg11 : memref<!tpu.dma_semaphore, #tpu.memory_space<semaphore_mem>>)
    %dma_wait3A_179 = arith.constant 0 : i32
    %dma_wait3A_180 = arith.constant 0 : i32
    %dma_wait3A_181 = tpu.memref_slice %arg8[%dma_wait3A_179, %dma_wait3A_180] : memref<104x128xf32, #tpu.memory_space<vmem>> -> memref<16x128xf32, #tpu.memory_space<vmem>>
    %dma_wait3A_182 = arith.constant 9984 : i32
    %dma_wait3A_183 = tpu.memref_slice %arg6[%dma_wait3A_182] : memref<10000xi32, #tpu.memory_space<vmem>> -> memref<16xi32, #tpu.memory_space<vmem>>
    %dma_wait3A_184 = arith.constant 0 : i32
    %dma_wait3A_185 = arith.constant 0 : i32
    %dma_wait3A_186 = tpu.memref_slice %arg2[%dma_wait3A_184, %dma_wait3A_185] : memref<10000x128xf32, #tpu.memory_space<hbm>> -> memref<10000x128xf32, #tpu.memory_space<hbm>>
    tpu.wait_indirect_dma semaphore(%arg11 : memref<!tpu.dma_semaphore, #tpu.memory_space<semaphore_mem>>) src(%dma_wait3A_186 : memref<10000x128xf32, #tpu.memory_space<hbm>>) dst(%dma_wait3A_181 : memref<16x128xf32, #tpu.memory_space<vmem>>)
    %dma_start3A_187 = arith.constant 0 : i32
    %dma_start3A_188 = arith.constant 0 : i32
    %dma_start3A_189 = tpu.memref_slice %arg8[%dma_start3A_187, %dma_start3A_188] : memref<104x128xf32, #tpu.memory_space<vmem>> -> memref<16x128xf32, #tpu.memory_space<vmem>>
    %dma_start3A_190 = arith.constant 9984 : i32
    %dma_start3A_191 = tpu.memref_slice %arg7[%dma_start3A_190] : memref<10000xi32, #tpu.memory_space<vmem>> -> memref<16xi32, #tpu.memory_space<vmem>>
    %dma_start3A_192 = arith.constant 0 : i32
    %dma_start3A_193 = arith.constant 0 : i32
    %dma_start3A_194 = tpu.memref_slice %arg10[%dma_start3A_192, %dma_start3A_193] : memref<10112x128xf32, #tpu.memory_space<vmem_shared>> -> memref<10112x128xf32, #tpu.memory_space<vmem_shared>>
    tpu.enqueue_indirect_dma source(%dma_start3A_189 : memref<16x128xf32, #tpu.memory_space<vmem>>) target(%dma_start3A_194 : memref<10112x128xf32, #tpu.memory_space<vmem_shared>>) offsets(%dma_start3A_191 : memref<16xi32, #tpu.memory_space<vmem>>) semaphore(%arg13 : memref<!tpu.dma_semaphore, #tpu.memory_space<semaphore_mem>>) {add = true}
    %dma_wait3A_195 = arith.constant 9880 : i32
    %dma_wait3A_196 = tpu.memref_slice %arg7[%dma_wait3A_195] : memref<10000xi32, #tpu.memory_space<vmem>> -> memref<104xi32, #tpu.memory_space<vmem>>
    %dma_wait3A_197 = arith.constant 0 : i32
    %dma_wait3A_198 = arith.constant 0 : i32
    %dma_wait3A_199 = tpu.memref_slice %arg10[%dma_wait3A_197, %dma_wait3A_198] : memref<10112x128xf32, #tpu.memory_space<vmem_shared>> -> memref<10112x128xf32, #tpu.memory_space<vmem_shared>>
    tpu.wait_indirect_dma semaphore(%arg14 : memref<!tpu.dma_semaphore, #tpu.memory_space<semaphore_mem>>) src(%arg9 : memref<104x128xf32, #tpu.memory_space<vmem>>) dst(%dma_wait3A_199 : memref<10112x128xf32, #tpu.memory_space<vmem_shared>>)
    %dma_wait3A_200 = arith.constant 0 : i32
    %dma_wait3A_201 = arith.constant 0 : i32
    %dma_wait3A_202 = tpu.memref_slice %arg8[%dma_wait3A_200, %dma_wait3A_201] : memref<104x128xf32, #tpu.memory_space<vmem>> -> memref<16x128xf32, #tpu.memory_space<vmem>>
    %dma_wait3A_203 = arith.constant 9984 : i32
    %dma_wait3A_204 = tpu.memref_slice %arg7[%dma_wait3A_203] : memref<10000xi32, #tpu.memory_space<vmem>> -> memref<16xi32, #tpu.memory_space<vmem>>
    %dma_wait3A_205 = arith.constant 0 : i32
    %dma_wait3A_206 = arith.constant 0 : i32
    %dma_wait3A_207 = tpu.memref_slice %arg10[%dma_wait3A_205, %dma_wait3A_206] : memref<10112x128xf32, #tpu.memory_space<vmem_shared>> -> memref<10112x128xf32, #tpu.memory_space<vmem_shared>>
    tpu.wait_indirect_dma semaphore(%arg13 : memref<!tpu.dma_semaphore, #tpu.memory_space<semaphore_mem>>) src(%dma_wait3A_202 : memref<16x128xf32, #tpu.memory_space<vmem>>) dst(%dma_wait3A_207 : memref<10112x128xf32, #tpu.memory_space<vmem_shared>>)
    %barrier3A_208 = arith.constant 0 : index
    tpu.barrier barrier_id(%barrier3A_208)
    "tpu.region"() ({
      %run_scoped3A = tpu.sem_alloc : memref<!tpu.dma_semaphore, #tpu.memory_space<semaphore_mem>>
      %dma_start3A_209 = arith.constant 0 : i32
      %dma_start3A_210 = tpu.memref_slice %arg5[%arg0, %mul3A_10, %dma_start3A_209] : memref<2x10112x128xf32, #tpu.memory_space<hbm>> -> memref<1x632x128xf32, #tpu.memory_space<hbm>>
      %dma_start3A_211 = tpu.memref_squeeze %dma_start3A_210 : memref<1x632x128xf32, #tpu.memory_space<hbm>> -> memref<632x128xf32, #tpu.memory_space<hbm>>
      %dma_start3A_212 = arith.constant 0 : i32
      %dma_start3A_213 = tpu.memref_slice %arg10[%mul3A_10, %dma_start3A_212] : memref<10112x128xf32, #tpu.memory_space<vmem_shared>> -> memref<632x128xf32, #tpu.memory_space<vmem_shared>>
      tpu.enqueue_dma source(%dma_start3A_213 : memref<632x128xf32, #tpu.memory_space<vmem_shared>>) target(%dma_start3A_211 : memref<632x128xf32, #tpu.memory_space<hbm>>) target_semaphore(%run_scoped3A : memref<!tpu.dma_semaphore, #tpu.memory_space<semaphore_mem>>)
      %dma_wait3A_214 = arith.constant 0 : i32
      %dma_wait3A_215 = tpu.memref_slice %arg5[%arg0, %mul3A_10, %dma_wait3A_214] : memref<2x10112x128xf32, #tpu.memory_space<hbm>> -> memref<1x632x128xf32, #tpu.memory_space<hbm>>
      %dma_wait3A_216 = tpu.memref_squeeze %dma_wait3A_215 : memref<1x632x128xf32, #tpu.memory_space<hbm>> -> memref<632x128xf32, #tpu.memory_space<hbm>>
      %dma_wait3A_217 = arith.constant 0 : i32
      %dma_wait3A_218 = tpu.memref_slice %arg10[%mul3A_10, %dma_wait3A_217] : memref<10112x128xf32, #tpu.memory_space<vmem_shared>> -> memref<632x128xf32, #tpu.memory_space<vmem_shared>>
      tpu.wait_dma2 semaphore(%run_scoped3A : memref<!tpu.dma_semaphore, #tpu.memory_space<semaphore_mem>>) src(%dma_wait3A_218 : memref<632x128xf32, #tpu.memory_space<vmem_shared>>) dst(%dma_wait3A_216 : memref<632x128xf32, #tpu.memory_space<hbm>>)
      tpu.yield
    }) : () -> ()
    return
  }
}

module attributes {stable_mosaic.version = 14 : i64} {
  func.func @_combine_body(%arg0: i32, %arg1: memref<2x2000x128xf32, #tpu.memory_space<vmem>>, %arg2: memref<2000x1xf32, #tpu.memory_space<vmem>>, %arg3: memref<2000x128xf32, #tpu.memory_space<vmem>>) attributes {dimension_semantics = [#tpu.dimension_semantics<arbitrary>], iteration_bounds = array<i64: 5>, scalar_prefetch = 0 : i64, scratch_operands = 0 : i64, tpu.core_type = #tpu.core_type<tc>, window_params = [{transform_indices = @transform_0, window_bounds = array<i64: 2, 2000, 128>}, {transform_indices = @transform_1, window_bounds = array<i64: 2000, 1>}, {transform_indices = @transform_2, window_bounds = array<i64: 2000, 128>}]} {
    %get3A = arith.constant 0 : index
    %get3A_0 = arith.constant 0 : index
    %get3A_1 = arith.constant 0 : index
    %get3A_2 = vector.load %arg1[%get3A, %get3A_0, %get3A_1] : memref<2x2000x128xf32, #tpu.memory_space<vmem>>, vector<1x2000x128xf32>
    %get3A_3 = vector.shape_cast %get3A_2 : vector<1x2000x128xf32> to vector<2000x128xf32>
    %get3A_4 = arith.constant 1 : index
    %get3A_5 = arith.constant 0 : index
    %get3A_6 = arith.constant 0 : index
    %get3A_7 = vector.load %arg1[%get3A_4, %get3A_5, %get3A_6] : memref<2x2000x128xf32, #tpu.memory_space<vmem>>, vector<1x2000x128xf32>
    %get3A_8 = vector.shape_cast %get3A_7 : vector<1x2000x128xf32> to vector<2000x128xf32>
    %add3A = arith.addf %get3A_3, %get3A_8 : vector<2000x128xf32>
    %get3A_9 = arith.constant 0 : index
    %get3A_10 = arith.constant 0 : index
    %get3A_11 = vector.load %arg2[%get3A_9, %get3A_10] : memref<2000x1xf32, #tpu.memory_space<vmem>>, vector<2000x1xf32>
    %mul3A = vector.broadcast %get3A_11 : vector<2000x1xf32> to vector<2000x128xf32>
    %mul3A_12 = arith.mulf %add3A, %mul3A : vector<2000x128xf32>
    %swap3A = arith.constant 0 : index
    %swap3A_13 = arith.constant 0 : index
    %swap3A_14 = vector.load %arg3[%swap3A, %swap3A_13] : memref<2000x128xf32, #tpu.memory_space<vmem>>, vector<2000x128xf32>
    tpu.vector_store %arg3[%swap3A, %swap3A_13], %mul3A_12 {strides = array<i32>} : memref<2000x128xf32, #tpu.memory_space<vmem>>, vector<2000x128xf32>,
    return
  }
  func.func @transform_0(%arg0: i32) -> (i32, i32, i32) {
    %c0_i32 = arith.constant 0 : i32
    %c0_i32_0 = arith.constant 0 : i32
    %c0_i32_1 = arith.constant 0 : i32
    return %c0_i32, %arg0, %c0_i32_0 : i32, i32, i32
  }
  func.func @transform_1(%arg0: i32) -> (i32, i32) {
    %c0_i32 = arith.constant 0 : i32
    %c0_i32_0 = arith.constant 0 : i32
    return %arg0, %c0_i32 : i32, i32
  }
  func.func @transform_2(%arg0: i32) -> (i32, i32) {
    %c0_i32 = arith.constant 0 : i32
    %c0_i32_0 = arith.constant 0 : i32
    return %arg0, %c0_i32 : i32, i32
  }
}

module attributes {stable_mosaic.version = 14 : i64} {
  func.func @_matmul_body(%arg0: i32, %arg1: memref<1000x128xf32, #tpu.memory_space<vmem>>, %arg2: memref<128x128xf32, #tpu.memory_space<vmem>>, %arg3: memref<1000x1xf32, #tpu.memory_space<vmem>>, %arg4: memref<1000x128xf32, #tpu.memory_space<vmem>>) attributes {dimension_semantics = [#tpu.dimension_semantics<arbitrary>], iteration_bounds = array<i64: 10>, scalar_prefetch = 0 : i64, scratch_operands = 0 : i64, tpu.core_type = #tpu.core_type<tc>, window_params = [{transform_indices = @transform_0, window_bounds = array<i64: 1000, 128>}, {pipeline_mode = #tpu.pipeline_mode<synchronous>, transform_indices = @transform_1, window_bounds = array<i64: 128, 128>}, {transform_indices = @transform_2, window_bounds = array<i64: 1000, 1>}, {transform_indices = @transform_3, window_bounds = array<i64: 1000, 128>}]} {
    %get3A = arith.constant 0 : index
    %get3A_0 = arith.constant 0 : index
    %get3A_1 = vector.load %arg1[%get3A, %get3A_0] : memref<1000x128xf32, #tpu.memory_space<vmem>>, vector<1000x128xf32>
    %get3A_2 = arith.constant 0 : index
    %get3A_3 = arith.constant 0 : index
    %get3A_4 = vector.load %arg2[%get3A_2, %get3A_3] : memref<128x128xf32, #tpu.memory_space<vmem>>, vector<128x128xf32>
    %dot_general3A = arith.constant dense<0.000000e+00> : vector<1000x128xf32>
    %dot_general3A_5 = tpu.matmul %get3A_1, %get3A_4, %dot_general3A {dimension_numbers = #tpu.dot_dimension_numbers<[1], [0], [0], [1], [0, 0, 1, 1], [], []>, transpose_lhs_hint = false} : vector<1000x128xf32>, vector<128x128xf32>, vector<1000x128xf32> -> vector<1000x128xf32>
    %get3A_6 = arith.constant 0 : index
    %get3A_7 = arith.constant 0 : index
    %get3A_8 = vector.load %arg3[%get3A_6, %get3A_7] : memref<1000x1xf32, #tpu.memory_space<vmem>>, vector<1000x1xf32>
    %mul3A = vector.broadcast %get3A_8 : vector<1000x1xf32> to vector<1000x128xf32>
    %mul3A_9 = arith.mulf %dot_general3A_5, %mul3A : vector<1000x128xf32>
    %swap3A = arith.constant 0 : index
    %swap3A_10 = arith.constant 0 : index
    %swap3A_11 = vector.load %arg4[%swap3A, %swap3A_10] : memref<1000x128xf32, #tpu.memory_space<vmem>>, vector<1000x128xf32>
    tpu.vector_store %arg4[%swap3A, %swap3A_10], %mul3A_9 {strides = array<i32>} : memref<1000x128xf32, #tpu.memory_space<vmem>>, vector<1000x128xf32>,
    return
  }
  func.func @transform_0(%arg0: i32) -> (i32, i32) {
    %c0_i32 = arith.constant 0 : i32
    %c0_i32_0 = arith.constant 0 : i32
    return %arg0, %c0_i32 : i32, i32
  }
  func.func @transform_1(%arg0: i32) -> (i32, i32) {
    %c0_i32 = arith.constant 0 : i32
    %c0_i32_0 = arith.constant 0 : i32
    %c0_i32_1 = arith.constant 0 : i32
    return %c0_i32, %c0_i32_0 : i32, i32
  }
  func.func @transform_2(%arg0: i32) -> (i32, i32) {
    %c0_i32 = arith.constant 0 : i32
    %c0_i32_0 = arith.constant 0 : i32
    return %arg0, %c0_i32 : i32, i32
  }
  func.func @transform_3(%arg0: i32) -> (i32, i32) {
    %c0_i32 = arith.constant 0 : i32
    %c0_i32_0 = arith.constant 0 : i32
    return %arg0, %c0_i32 : i32, i32
  }
}

</mosaic_0001>

<sc_bundles>
// kernel: kernel.5.cloned.1.call-start
scs
__scs_entry_jumppad:
0x0: {  	(pc) =	sbr.rel $0x88, $3  }
0x1: {  	(tag) =	ssettag $0x0;
	lr =	simm.s32 $0x1  }
0x2: {  	[smem:$0x3F9C] =	sst lr;
	_ =	strace $0xD0000000  }
0x3: {  	_ = 	snop  }
0x4: {  	_ = 	snop  }
0x5: {  	_ = 	snop  }
0x6: {  	_ = 	snop  }
0x7: {  	_ = 	snop  }
__scs_overlays_trampoline_lowered:
0x8: {  	[smem:$0x3FAB] =	sst s0  }
0x9: {  	[smem:$0x3FAC] =	sst s1  }
0xa: {  	[smem:$0x3FAD] =	sst s2  }
0xb: {  	[smem:$0x3FAE] =	sst s3  }
0xc: {  	[smem:$0x3FAF] =	sst s4  }
0xd: {  	[smem:$0x3FB0] =	sst s5  }
0xe: {  	[smem:$0x3FB1] =	sst s6  }
0xf: {  	[smem:$0x3FB2] =	sst s7  }
0x10: {  	[smem:$0x3FB3] =	sst s8  }
0x11: {  	[smem:$0x3FB4] =	sst s9;
	s0 =	simm.s32 @!p0 $0x0  }
0x12: {  	s1 =	sld [smem:$0x3F9A];
	s0 =	simm.s32 @p0 $0x1  }
0x13: {  	[smem:$0x3FB5] =	sst s0;
	s0 =	simm.s32 @!p1 $0x0  }
0x14: {  	s2 =	sld [smem:$0x3F99];
	s0 =	simm.s32 @p1 $0x1  }
0x15: {  	[smem:$0x3FB6] =	sst s0;
	s0 =	simm.s32 @!p2 $0x0  }
0x16: {  	s3 =	sld [smem:$0x3FDB];
	s0 =	simm.s32 @p2 $0x1  }
0x17: {  	s4 =	simm.s32 $0x1BF5;
	[smem:$0x3FB8] =	sst s0  }
0x18: {  	s0 =	sld [smem:$0x3F9B];
	_ =	swait.ge [sflag:s4], $0x0  }
0x19: {  	s7 =	sld [smem:$0x3F9C]  }
0x1a: {  	s8 =	sadd.s32 $0xFFFFE003, lr  }
0x1b: {  	s9 =	sadd.s32 $0xFFFFFEF7, lr;
	s5 =	simm.s32 $0xFFFFFFFF;
	p2 =	slt.u32 s8, $0xFFFFF086  }
0x1c: {  	p1 =	slt.u32 s9, $0xF7A;
	s5 =	simm.s32 @!p2 $0x0  }
0x1d: {  	s5 =	simm.s32 @p1 $0x1;
	p0 =	seq.s32 s7, s2  }
0x1e: {  	s7 =	smul.u32 @!p0 $0xF7A, s2;
	p2 =	seq.s32 @!p0 s5, $0x0  }
0x1f: {  	s9 =	smul.u32 $0xF7A, s1;
	s8 =	simm.s32 @!p0 $0x1BF5;
	p2 =	por !p2, p0  }
0x20: {  	[sflag:s8] =	ssyncset.s32 @!p0 $0xFFFFF086;
	s6 =	sadd.s32 @!p0 s3, s7;
	s7 =	simm.s32 @!p0 $0x108  }
0x21: {  	s3 =	sadd.s32 s3, s9;
	s6 =	sadd.s32 @!p0 $0x88, s6;
	s7 =	simm.s32 @p2 $0x1082  }
0x22: {  	[simem:s7], [sflag:s8] =	dma.local @!p0 [hbm:s6], $0xF7A  }
0x23: {  	s9 =	sor.u32 $0xD0000000, s2;
	s6 =	simm.s32 $0x108;
	_ =	swait.ge @!p0 [sflag:s8], $0x0  }
0x24: {  	s3 =	sadd.s32 $0x88, s3;
	s6 =	simm.s32 @!p1 $0x1082;
	[sflag:s4] =	ssyncset.s32 $0xFFFFF086  }
0x25: {  	[simem:s6], [sflag:s4] =	dma.local [hbm:s3], $0xF7A  }
0x26: {  	[smem:$0x3F9C] =	sst s1;
	(tag) =	ssettag s2;
	_ =	strace s9  }
0x27: {  	s1 =	sld [smem:$0x3FAC]  }
0x28: {  	s2 =	sld [smem:$0x3FAD]  }
0x29: {  	s4 =	sld [smem:$0x3FAF]  }
0x2a: {  	p0 =	seq.s32 s5, $0x0;
	s5 =	sld [smem:$0x3FB0]  }
0x2b: {  	s6 =	sld [smem:$0x3FB1]  }
0x2c: {  	s7 =	sld [smem:$0x3FB2]  }
0x2d: {  	s3 =	simm.s32 $0x108;
	s8 =	sld [smem:$0x3FB3]  }
0x2e: {  	s3 =	simm.s32 @!p0 $0x1082;
	s9 =	sld [smem:$0x3FB4]  }
0x2f: {  	lr =	sadd.s32 s0, s3;
	s0 =	sld [smem:$0x3FAB]  }
0x30: {  	s3 =	sld [smem:$0x3FAE]  }
0x31: {  	[smem:$0x3FB7] =	sst s10  }
0x32: {  	s10 =	sld [smem:$0x3FB5];
	_ =	sdelay $0x3  }
0x33: {  	p0 =	seq.s32 s10, $0x1;
	s10 =	sld [smem:$0x3FB7];
	_ =	sdelay $0x3  }
0x34: {  	[smem:$0x3FB7] =	sst s10  }
0x35: {  	s10 =	sld [smem:$0x3FB6];
	_ =	sdelay $0x3  }
0x36: {  	p1 =	seq.s32 s10, $0x1;
	s10 =	sld [smem:$0x3FB7];
	_ =	sdelay $0x3  }
0x37: {  	[smem:$0x3FB7] =	sst s10  }
0x38: {  	s10 =	sld [smem:$0x3FB8]  }
0x39: {  	_ = 	snop;
	(pc) =	sbr.ind lr, $3  }
0x3a: {  	_ = 	snop  }
0x3b: {  	_ = 	snop  }
0x3c: {  	p2 =	seq.s32 s10, $0x1;
	s10 =	sld [smem:$0x3FB7]  }
0x3d: {  	_ =	shalt  }
0x3e: {  	_ =	shalt  }
0x3f: {  	_ =	shalt  }
0x40: {  	_ =	shalt  }
0x41: {  	_ =	shalt  }
0x42: {  	_ =	shalt  }
0x43: {  	_ =	shalt  }
0x44: {  	_ =	shalt  }
0x45: {  	_ =	shalt  }
0x46: {  	_ =	shalt  }
0x47: {  	_ =	shalt  }
0x48: {  	_ =	shalt  }
0x49: {  	_ =	shalt  }
0x4a: {  	_ =	shalt  }
0x4b: {  	_ =	shalt  }
0x4c: {  	_ =	shalt  }
0x4d: {  	_ =	shalt  }
0x4e: {  	_ =	shalt  }
0x4f: {  	_ =	shalt  }
0x50: {  	_ =	shalt  }
0x51: {  	_ =	shalt  }
0x52: {  	_ =	shalt  }
0x53: {  	_ =	shalt  }
0x54: {  	_ =	shalt  }
0x55: {  	_ =	shalt  }
0x56: {  	_ =	shalt  }
0x57: {  	_ =	shalt  }
0x58: {  	_ =	shalt  }
0x59: {  	_ =	shalt  }
0x5a: {  	_ =	shalt  }
0x5b: {  	_ =	shalt  }
0x5c: {  	_ =	shalt  }
0x5d: {  	_ =	shalt  }
0x5e: {  	_ =	shalt  }
0x5f: {  	_ =	shalt  }
0x60: {  	_ =	shalt  }
0x61: {  	_ =	shalt  }
0x62: {  	_ =	shalt  }
0x63: {  	_ =	shalt  }
0x64: {  	_ =	shalt  }
0x65: {  	_ =	shalt  }
0x66: {  	_ =	shalt  }
0x67: {  	_ =	shalt  }
0x68: {  	_ =	shalt  }
0x69: {  	_ =	shalt  }
0x6a: {  	_ =	shalt  }
0x6b: {  	_ =	shalt  }
0x6c: {  	_ =	shalt  }
0x6d: {  	_ =	shalt  }
0x6e: {  	_ =	shalt  }
0x6f: {  	_ =	shalt  }
0x70: {  	_ =	shalt  }
0x71: {  	_ =	shalt  }
0x72: {  	_ =	shalt  }
0x73: {  	_ =	shalt  }
0x74: {  	_ =	shalt  }
0x75: {  	_ =	shalt  }
0x76: {  	_ =	shalt  }
0x77: {  	_ =	shalt  }
0x78: {  	_ =	shalt  }
0x79: {  	_ =	shalt  }
0x7a: {  	_ =	shalt  }
0x7b: {  	_ =	shalt  }
0x7c: {  	_ =	shalt  }
0x7d: {  	_ =	shalt  }
0x7e: {  	_ =	shalt  }
0x7f: {  	_ =	shalt  }
0x80: {  	_ =	shalt  }
0x81: {  	_ =	shalt  }
0x82: {  	_ =	shalt  }
0x83: {  	_ =	shalt  }
0x84: {  	_ =	shalt  }
0x85: {  	_ =	shalt  }
0x86: {  	_ =	shalt  }
0x87: {  	_ =	shalt  }
.Lfunc_end0:
.L_simem_size_0:
called_computation_lowered:
.L_overlay_start_0:
0x88: {  	s2 =	sld [smem:$0x3FD9]  }
0x89: {  	s3 =	sld [smem:$0x3FFE];
	_ =	sdelay $0x1  }
0x8a: {  	s1 =	srdreg.scid  }
0x8b: {  	s0 =	sand.u32 $0x1, s1  }
0x8c: {  	s17 =	sshll.u32 s0, $0xA;
	s2 =	sadd.s32 s3, s2  }
0x8d: {  	s2 =	sadd.s32 s2, s17  }
0x8e: {  	[smem:$0x3FC3] =	sst s2  }
0x8f: {  	_ = 	snop  }
0x90: {  	s2 =	sld [smem:$0x3FD0];
	(tm) =	ssettm $0x1  }
0x91: {  	s18 =	sld [smem:$0x3FFB];
	_ =	sdelay $0x3  }
0x92: {  	_ =	strace s18  }
0x93: {  	s3 =	sld [smem:$0x3FFC];
	_ =	sdelay $0x3  }
0x94: {  	_ =	strace s3  }
0x95: {  	s3 =	sld [smem:$0x3FFD];
	_ =	sdelay $0x3  }
0x96: {  	_ =	strace s3  }
0x97: {  	_ =	strace $0x8FFFFFFF  }
0x98: {  	s19 =	sld [smem:$0x3FDB];
	_ =	sdelay $0x1  }
0x99: {  	s4 =	simm.s32 $_scs_section_size  }
0x9a: {  	s5 =	simm.s32 $_size__tile_overlayer_lowered;
	s6 =	simm.s32 $_tile_overlayer_lowered  }
0x9b: {  	s22 =	simm.s32 $0x1BFF;
	s21 =	sshll.u32 s6, $0x1;
	s3 =	sadd.s32 s4, s19  }
0x9c: {  	s7 =	simm.s32 $0x0;
	s20 =	sshll.u32 s5, $0x1;
	s5 =	sadd.s32 s21, s3  }
0x9d: {  	[timem:s7], [sflag:s22] =	dma.local [hbm:s5], s20  }
0x9e: {  	_ =	swait.ge [sflag:s22], s20  }
0x9f: {  	s4 =	ssub.s32 $0x0, s20;
	[sflag:s22] =	ssyncset.done $0x0  }
0xa0: {  	[sflag:s22] =	ssyncadd.s32 s4;
	_ =	sdelay $0x1  }
0xa1: {  	s23 =	simm.s32 $0x1B8B  }
0xa2: {  	_ =	swait.ge [sflag:s23], $0x1  }
0xa3: {  	[sflag:s23] =	ssyncset.done $0x0  }
0xa4: {  	s25 =	simm.s32 $0x1B8E;
	s24 =	sld [smem:$0x3FFE];
	[sflag:s23] =	ssyncadd.s32 $0xFFFFFFFF  }
0xa5: {  	s26 =	simm.s32 $execute0_lowered;
	[smem:$0x3FD2] =	sst s25  }
0xa6: {  	s5 =	sshll.u32 s26, $0x1;
	_ =	strace $0x80000046;
	[dreg:$0x1] =	wrdreg $0xFFFFFFFF  }
0xa7: {  	s28 =	simm.s32 $_size_execute0_lowered;
	s3 =	sadd.s32 s3, s5;
	[dreg:$0x0] =	wrdreg $0x0  }
0xa8: {  	s5 =	sshll.u32 s28, $0x1;
	[dreg:$0x2] =	wrdreg s3  }
0xa9: {  	[dreg:$0x3] =	wrdreg s5  }
0xaa: {  	[dreg:$0x4] =	wrdreg $0xC0  }
0xab: {  	_ =	task [dreg:s7], $0x5FFFF  }
0xac: {  	[dreg:$0x1] =	wrdreg $0xFFFFFFFF  }
0xad: {  	[dreg:$0x0] =	wrdreg $0x60  }
0xae: {  	[dreg:$0x2] =	wrdreg s2  }
0xaf: {  	[dreg:$0x3] =	wrdreg s24  }
0xb0: {  	[dreg:$0x4] =	wrdreg $0xB7000  }
0xb1: {  	[dreg:$0x5] =	wrdreg $0x9  }
0xb2: {  	_ =	task.clear_ibuf [dreg:s7], $0x6FFFF;
	_ =	strace $0x90000046  }
0xb3: {  	s29 =	simm.s32 $0x9;
	_ =	strace $0x80000048  }
0xb4: {  	_ =	swait.ge [sflag:s29], $0x1  }
0xb5: {  	[sflag:s29] =	ssyncadd.s32 $0xFFFFFFFF  }
0xb6: {  	_ =	strace $0x90000048  }
0xb7: {  	_ =	sfence  }
0xb8: {  	s30 =	sld [smem:$0x0];
	_ =	sdelay $0x2  }
0xb9: {  	s31 =	sshll.u32 s1, $0xD;
	s1 =	sshrl.u32 s1, $0x2  }
0xba: {  	s3 =	sand.u32 $0x4000, s31;
	s1 =	sadd.s32 s1, s30  }
0xbb: {  	s0 =	sor.u32 s3, s0;
	s1 =	sshll.u32 s1, $0x11  }
0xbc: {  	s0 =	sor.u32 s1, s0  }
0xbd: {  	s0 =	sadd.s32 $0x8F2B, s0  }
0xbe: {  	[sflag:s0] =	ssyncadd.remote.s32 $0x1  }
0xbf: {  	_ =	sfence.sel $0xFFFF  }
0xc0: {  	[dreg:$0x0] =	wrdreg $0xFFFFFFFF;
	(pc) =	sbr.abs _section_cstart, $3  }
0xc1: {  	[dreg:$0x1] =	wrdreg $0xFFFFFFFF  }
0xc2: {  	_ =	task.clear_ibuf [dreg:s7], $0x2FFFF;
	_ =	strace $0x9FFFFFFF  }
0xc3: {  	(tm) =	ssettm $0x7FFFFFFF  }
tec
execute0_lowered:
.L_overlay_start_1:
0x0: {  	(tag) =	ssettag $0x1  }
0x1: {  	s1 =	rddreg [dreg:$0x0]  }
0x2: {  	s0 =	rddreg [dreg:$0x1]  }
0x3: {  	s3 =	rddreg [dreg:$0x2]  }
0x4: {  	s2 =	srdreg.scid;
	s8 =	stileid.u32;
	s4 =	simm.s32 $0x0  }
0x5: {  	s16 =	simm.s32 $0x5;
	s17 =	simm.s32 $0x2780;
	s18 =	simm.s32 $0x4F00  }
0x6: {  	s19 =	simm.s32 $0x3;
	s20 =	simm.s32 $0x4;
	s21 =	simm.s32 $0x68  }
0x7: {  	s22 =	simm.s32 $0x1;
	s23 =	simm.s32 $0x8300;
	s30 =	simm.s32 $0x4E18  }
0x8: {  	s31 =	simm.s32 $0x10;
	s2 =	sand.u32 $0x1, s2;
	s7 =	smul.u32 $0x13C00, s8  }
0x9: {  	[smem:$0x7FF] =	sst s4;
	s24 =	smul.u32 $0x4F000, s8;
	s5 =	sshll.u32 s2, $0x4  }
0xa: {  	s6 =	smul.u32 $0x13C000, s2;
	_ =	strace $0x80000047;
	s2 =	ssub.s32 $0x2, s2  }
0xb: {  	s5 =	sor.u32 s8, s5;
	s28 =	sshrl.u32 s2, $0x1;
	s29 =	sshrl.u32 s24, $0x2  }
0xc: {  	s24 =	simm.s32 $0x2;
	s5 =	smul.u32 $0x4E2, s5;
	s6 =	sadd.s32 s7, s6  }
0xd: {  	s2 =	ssub.s32 s2, s28;
	s26 =	sshrl.u32 s6, $0x3;
	s6 =	sadd.s32 s29, s3  }
0xe: {  	s15 =	smax.u32 s2, $0x1;
	s2 =	simm.s32 $0x4E80;
	s25 =	sadd.s32 s5, s0  }
0xf: {  	s0 =	sadd.s32 s26, s0;
	s8 =	sadd.s32 $0x3400, s6;
	s9 =	sadd.s32 $0x6800, s6  }
0x10: {  	s10 =	sadd.s32 $0x9C00, s6;
	s11 =	sadd.s32 $0xD000, s6;
	s12 =	sadd.s32 $0x10400, s6  }
0x11: {  	s13 =	sadd.s32 $0x13800, s6;
	s5 =	sadd.s32 $0xA600, s25;
	s7 =	sadd.s32 $0x800, s25  }
0x12: {  	v0 =	vimm.f32 $0.0e+00;
	s14 =	sadd.s32 $0x14400, s0;
	s0 =	simm.s32 $0x2700;
	s25 =	simm.s32 $0x0  }
.LBB2_1:
0x13: {  	[tilespmem:s4], [sflag:$0x5] =	stream.linear.gather [hbm4b:s5+s4], $0x2710, $0x38;
	[tilespmem:$0x1F300] =	vst v63  }
0x14: {  	_ =	swait.ge [sflag:s16], $0x2710  }
0x15: {  	[sflag:s16] =	ssyncset.done $0x0  }
0x16: {  	[sflag:s16] =	ssyncadd.s32 $0xFFFFD8F0  }
0x17: {  	[tilespmem:s17], [sflag:$0x5] =	stream.linear.gather [hbm4b:s7+s4], $0x2710, $0x38;
	[tilespmem:$0x1F300] =	vst v63  }
0x18: {  	_ =	swait.ge [sflag:s16], $0x2710  }
0x19: {  	[sflag:s16] =	ssyncset.done $0x0  }
0x1a: {  	s26 =	simm.s32 $0x0;
	s28 =	simm.s32 $0x200;
	[sflag:s16] =	ssyncadd.s32 $0xFFFFD8F0  }
.LBB2_2:
0x1b: {  	p0 =	sne.s32 s28, $0xCE00;
	[tilespmem:s26+$0x4F70] =	vst v0  }
0x1c: {  	[tilespmem:s26+$0x4F00] =	vst v0  }
0x1d: {  	[tilespmem:s26+$0x4F10] =	vst v0  }
.Ltmp0:
0x1e: {  	[tilespmem:s26+$0x4F20] =	vst v0;
	(pc) =	sbr.rel @p0 .LBB2_2-.Ltmp0, $4  }
0x1f: {  	[tilespmem:s26+$0x4F30] =	vst v0  }
0x20: {  	[tilespmem:s26+$0x4F40] =	vst v0  }
0x21: {  	[tilespmem:s26+$0x4F50] =	vst v0  }
0x22: {  	[tilespmem:s26+$0x4F60] =	vst v0;
	s26 =	sshra.s32 s28, $0x2;
	s28 =	sadd.s32 $0x200, s28  }
0x23: {  	[tilespmem:s26+$0x4F70] =	vst v0  }
0x24: {  	[tilespmem:s26+$0x4F00] =	vst v0  }
0x25: {  	[tilespmem:s26+$0x4F10] =	vst v0  }
0x26: {  	[tilespmem:s26+$0x4F20] =	vst v0  }
0x27: {  	[tilespmem:s26+$0x4F30] =	vst v0  }
0x28: {  	[tilespmem:s26+$0x4F40] =	vst v0  }
0x29: {  	[tilespmem:s26+$0x4F50] =	vst v0  }
0x2a: {  	[tilespmem:s26+$0x4F60] =	vst v0  }
0x2b: {  	[spmem:s6] =	stream.linear.scatter [tilespmem:s18], [sflag:$0x3], $0x3400, $0x38;
	[tilespmem:$0x1F300] =	vst v63  }
0x2c: {  	_ = 	snop  }
0x2d: {  	[spmem:s8] =	stream.linear.scatter [tilespmem:s18], [sflag:$0x4], $0x3400, $0x38;
	[tilespmem:$0x1F300] =	vst v63  }
0x2e: {  	_ = 	snop  }
0x2f: {  	[spmem:s9] =	stream.linear.scatter [tilespmem:s18], [sflag:$0x3], $0x3400, $0x38;
	[tilespmem:$0x1F300] =	vst v63  }
0x30: {  	_ = 	snop  }
0x31: {  	[spmem:s10] =	stream.linear.scatter [tilespmem:s18], [sflag:$0x4], $0x3400, $0x38;
	[tilespmem:$0x1F300] =	vst v63  }
0x32: {  	_ = 	snop  }
0x33: {  	[spmem:s11] =	stream.linear.scatter [tilespmem:s18], [sflag:$0x3], $0x3400, $0x38;
	[tilespmem:$0x1F300] =	vst v63  }
0x34: {  	_ = 	snop  }
0x35: {  	[spmem:s12] =	stream.linear.scatter [tilespmem:s18], [sflag:$0x4], $0x3400, $0x38;
	[tilespmem:$0x1F300] =	vst v63  }
0x36: {  	_ = 	snop  }
0x37: {  	[spmem:s13] =	stream.linear.scatter [tilespmem:s18], [sflag:$0x3], $0x400, $0x38;
	[tilespmem:$0x1F300] =	vst v63  }
0x38: {  	_ =	swait.ge [sflag:s19], $0x3400  }
0x39: {  	[sflag:s19] =	ssyncset.done $0x0  }
0x3a: {  	[sflag:s19] =	ssyncadd.s32 $0xFFFFCC00  }
0x3b: {  	_ =	swait.ge [sflag:s20], $0x3400  }
0x3c: {  	[sflag:s20] =	ssyncset.done $0x0  }
0x3d: {  	[sflag:s20] =	ssyncadd.s32 $0xFFFFCC00  }
0x3e: {  	_ =	swait.ge [sflag:s19], $0x3400  }
0x3f: {  	[sflag:s19] =	ssyncset.done $0x0  }
0x40: {  	[sflag:s19] =	ssyncadd.s32 $0xFFFFCC00  }
0x41: {  	_ =	swait.ge [sflag:s20], $0x3400  }
0x42: {  	[sflag:s20] =	ssyncset.done $0x0  }
0x43: {  	[sflag:s20] =	ssyncadd.s32 $0xFFFFCC00  }
0x44: {  	_ =	swait.ge [sflag:s19], $0x3400  }
0x45: {  	[sflag:s19] =	ssyncset.done $0x0  }
0x46: {  	[sflag:s19] =	ssyncadd.s32 $0xFFFFCC00  }
0x47: {  	_ =	swait.ge [sflag:s20], $0x3400  }
0x48: {  	[sflag:s20] =	ssyncset.done $0x0  }
0x49: {  	[sflag:s20] =	ssyncadd.s32 $0xFFFFCC00  }
0x4a: {  	_ =	swait.ge [sflag:s19], $0x400  }
0x4b: {  	[sflag:s19] =	ssyncset.done $0x0  }
0x4c: {  	[sflag:s19] =	ssyncadd.s32 $0xFFFFFC00  }
0x4d: {  	[bflag:$0x0] =	sbarrier.arrive $0xFFFF  }
0x4e: {  	[tilespmem:s18], [sflag:$0x1] =	stream.indirect.gather [hbm4b:s1+s21], $0x80, s4, s21, $0xb8;
	[tilespmem:$0x1F300] =	vst v63  }
0x4f: {  	_ =	swait.ge [sflag:s22], $0x3400  }
0x50: {  	[sflag:s22] =	ssyncset.done $0x0  }
0x51: {  	[sflag:s22] =	ssyncadd.s32 $0xFFFFCC00  }
0x52: {  	[spmem:s3] =	stream.indirect.scatter.add.f32 [tilespmem:s18], [sflag:$0x3], $0x80, s17, s21, $0xb8;
	[tilespmem:$0x1F300] =	vst v63  }
0x53: {  	_ = 	snop  }
0x54: {  	[tilespmem:s23], [sflag:$0x2] =	stream.indirect.gather [hbm4b:s1+s21], $0x80, s21, s21, $0xb8;
	[tilespmem:$0x1F300] =	vst v63  }
0x55: {  	_ =	swait.ge [sflag:s24], $0x3400  }
0x56: {  	[sflag:s24] =	ssyncset.done $0x0  }
0x57: {  	s29 =	simm.s32 $0x27E8;
	[sflag:s24] =	ssyncadd.s32 $0xFFFFCC00  }
0x58: {  	[spmem:s3] =	stream.indirect.scatter.add.f32 [tilespmem:s23], [sflag:$0x4], $0x80, s29, s21, $0xb8;
	[tilespmem:$0x1F300] =	vst v63  }
0x59: {  	_ =	swait.ge [sflag:s19], $0x3400  }
0x5a: {  	[sflag:s19] =	ssyncset.done $0x0  }
0x5b: {  	s29 =	simm.s32 $0xD0;
	[sflag:s19] =	ssyncadd.s32 $0xFFFFCC00  }
0x5c: {  	[tilespmem:s18], [sflag:$0x1] =	stream.indirect.gather [hbm4b:s1+s21], $0x80, s29, s21, $0xb8;
	[tilespmem:$0x1F300] =	vst v63  }
0x5d: {  	_ =	swait.ge [sflag:s22], $0x3400  }
0x5e: {  	[sflag:s22] =	ssyncset.done $0x0  }
0x5f: {  	s29 =	simm.s32 $0x2850;
	[sflag:s22] =	ssyncadd.s32 $0xFFFFCC00  }
0x60: {  	[spmem:s3] =	stream.indirect.scatter.add.f32 [tilespmem:s18], [sflag:$0x3], $0x80, s29, s21, $0xb8;
	[tilespmem:$0x1F300] =	vst v63  }
0x61: {  	_ =	swait.ge [sflag:s20], $0x3400  }
0x62: {  	[sflag:s20] =	ssyncset.done $0x0  }
0x63: {  	s29 =	simm.s32 $0x138;
	[sflag:s20] =	ssyncadd.s32 $0xFFFFCC00  }
0x64: {  	[tilespmem:s23], [sflag:$0x2] =	stream.indirect.gather [hbm4b:s1+s21], $0x80, s29, s21, $0xb8;
	[tilespmem:$0x1F300] =	vst v63  }
0x65: {  	_ =	swait.ge [sflag:s24], $0x3400  }
0x66: {  	[sflag:s24] =	ssyncset.done $0x0  }
0x67: {  	s29 =	simm.s32 $0x28B8;
	[sflag:s24] =	ssyncadd.s32 $0xFFFFCC00  }
0x68: {  	[spmem:s3] =	stream.indirect.scatter.add.f32 [tilespmem:s23], [sflag:$0x4], $0x80, s29, s21, $0xb8;
	[tilespmem:$0x1F300] =	vst v63  }
0x69: {  	_ =	swait.ge [sflag:s19], $0x3400  }
0x6a: {  	[sflag:s19] =	ssyncset.done $0x0  }
0x6b: {  	s26 =	simm.s32 $0xFFFF6DC0;
	s28 =	simm.s32 $0x1A0;
	[sflag:s19] =	ssyncadd.s32 $0xFFFFCC00  }
.LBB2_4:
0x6c: {  	[tilespmem:s18], [sflag:$0x1] =	stream.indirect.gather [hbm4b:s1+s21], $0x80, s28, s21, $0xb8;
	[tilespmem:$0x1F300] =	vst v63  }
0x6d: {  	s28 =	smov.u32 s26  }
0x6e: {  	p0 =	sne.s32 s26, $0xFFFFFCC0;
	s26 =	sadd.s32 $0x340, s26;
	_ =	swait.ge [sflag:s22], $0x3400  }
0x6f: {  	s28 =	sshra.s32 s28, $0x2;
	[sflag:s22] =	ssyncset.done $0x0  }
0x70: {  	s29 =	sadd.s32 $0x4DB0, s28;
	[sflag:s22] =	ssyncadd.s32 $0xFFFFCC00  }
0x71: {  	[spmem:s3] =	stream.indirect.scatter.add.f32 [tilespmem:s18], [sflag:$0x3], $0x80, s29, s21, $0xb8;
	[tilespmem:$0x1F300] =	vst v63  }
0x72: {  	_ =	swait.ge [sflag:s20], $0x3400  }
0x73: {  	[sflag:s20] =	ssyncset.done $0x0  }
0x74: {  	s29 =	sadd.s32 $0x2698, s28;
	[sflag:s20] =	ssyncadd.s32 $0xFFFFCC00  }
0x75: {  	[tilespmem:s23], [sflag:$0x2] =	stream.indirect.gather [hbm4b:s1+s21], $0x80, s29, s21, $0xb8;
	[tilespmem:$0x1F300] =	vst v63  }
0x76: {  	_ =	swait.ge [sflag:s24], $0x3400  }
0x77: {  	[sflag:s24] =	ssyncset.done $0x0  }
.Ltmp1:
0x78: {  	s29 =	sadd.s32 $0x4E18, s28;
	[sflag:s24] =	ssyncadd.s32 $0xFFFFCC00;
	(pc) =	sbr.rel @p0 .LBB2_4-.Ltmp1, $4  }
0x79: {  	[spmem:s3] =	stream.indirect.scatter.add.f32 [tilespmem:s23], [sflag:$0x4], $0x80, s29, s21, $0xb8;
	[tilespmem:$0x1F300] =	vst v63  }
0x7a: {  	_ =	swait.ge [sflag:s19], $0x3400  }
0x7b: {  	[sflag:s19] =	ssyncset.done $0x0  }
0x7c: {  	s28 =	sadd.s32 $0x2700, s28;
	[sflag:s19] =	ssyncadd.s32 $0xFFFFCC00  }
0x7d: {  	[tilespmem:s18], [sflag:$0x1] =	stream.indirect.gather [hbm4b:s1+s21], $0x80, s28, s21, $0xb8;
	[tilespmem:$0x1F300] =	vst v63  }
0x7e: {  	_ =	swait.ge [sflag:s22], $0x3400  }
0x7f: {  	[sflag:s22] =	ssyncset.done $0x0  }
0x80: {  	s26 =	simm.s32 $0x4DB0;
	[sflag:s22] =	ssyncadd.s32 $0xFFFFCC00  }
0x81: {  	[spmem:s3] =	stream.indirect.scatter.add.f32 [tilespmem:s18], [sflag:$0x3], $0x80, s26, s21, $0xb8;
	[tilespmem:$0x1F300] =	vst v63  }
0x82: {  	_ =	swait.ge [sflag:s20], $0x3400  }
0x83: {  	[sflag:s20] =	ssyncset.done $0x0  }
0x84: {  	s29 =	simm.s32 $0x2698;
	[sflag:s20] =	ssyncadd.s32 $0xFFFFCC00  }
0x85: {  	[tilespmem:s23], [sflag:$0x2] =	stream.indirect.gather [hbm4b:s1+s21], $0x80, s29, s21, $0xb8;
	[tilespmem:$0x1F300] =	vst v63  }
0x86: {  	_ =	swait.ge [sflag:s24], $0x3400  }
0x87: {  	[sflag:s24] =	ssyncset.done $0x0  }
0x88: {  	[sflag:s24] =	ssyncadd.s32 $0xFFFFCC00  }
0x89: {  	[spmem:s3] =	stream.indirect.scatter.add.f32 [tilespmem:s23], [sflag:$0x4], $0x80, s30, s21, $0xb8;
	[tilespmem:$0x1F300] =	vst v63  }
0x8a: {  	_ =	swait.ge [sflag:s19], $0x3400  }
0x8b: {  	[sflag:s19] =	ssyncset.done $0x0  }
0x8c: {  	[sflag:s19] =	ssyncadd.s32 $0xFFFFCC00  }
0x8d: {  	[tilespmem:s18], [sflag:$0x1] =	stream.indirect.gather [hbm4b:s1+s31], $0x80, s0, s31, $0xb8;
	[tilespmem:$0x1F300] =	vst v63  }
0x8e: {  	_ =	swait.ge [sflag:s22], $0x800  }
0x8f: {  	[sflag:s22] =	ssyncset.done $0x0  }
0x90: {  	[sflag:s22] =	ssyncadd.s32 $0xFFFFF800  }
0x91: {  	[spmem:s3] =	stream.indirect.scatter.add.f32 [tilespmem:s18], [sflag:$0x3], $0x80, s2, s31, $0xb8;
	[tilespmem:$0x1F300] =	vst v63  }
0x92: {  	_ =	swait.ge [sflag:s20], $0x3400  }
0x93: {  	[sflag:s20] =	ssyncset.done $0x0  }
0x94: {  	[sflag:s20] =	ssyncadd.s32 $0xFFFFCC00  }
0x95: {  	s28 =	stileid.u32;
	_ =	swait.ge [sflag:s19], $0x800  }
0x96: {  	s25 =	sadd.s32 $0x1, s25;
	s26 =	sshll.u32 s28, $0x6;
	[sflag:s19] =	ssyncset.done $0x0  }
0x97: {  	p0 =	sne.s32 s25, s15;
	s26 =	sor.u32 $0x1C05, s26;
	[sflag:s19] =	ssyncadd.s32 $0xFFFFF800  }
.Ltmp2:
0x98: {  	s29 =	sshrl.u32 s6, $0x3;
	[bflag:$0x0] =	sbarrier.arrive $0xFFFF;
	(pc) =	sbr.rel @p0 .LBB2_1-.Ltmp2, $4  }
0x99: {  	[hbm:s14], [sflag:s26] =	dma.local [spmem:s29], $0x2780  }
0x9a: {  	_ =	swait.ge [sflag:s16], $0x2780  }
0x9b: {  	[sflag:s16] =	ssyncset.done $0x0  }
0x9c: {  	[sflag:s16] =	ssyncadd.s32 $0xFFFFD880  }
0x9d: {  	_ =	sfence.sel $0x180000  }
0x9e: {  	[bflag:$0x0] =	sbarrier.arrive $0xFFFF  }
0x9f: {  	_ =	strace $0x90000047  }
0xa0: {  	s0 =	stileid.u32;
	[bflag:$0x2] =	sbarrier.arrive $0xFFFF  }
0xa1: {  	p0 =	sne.s32 s0, $0x0;
	s0 =	rddreg [dreg:$0x3]  }
0xa2: {  	s0 =	sadd.s32 @!p0 $0x100000, s0  }
0xa3: {  	[sflag:s0] =	ssyncadd.tile.s32 @!p0 $0x1;
	_ =	shalt  }
.Lfunc_end2:
_tile_overlayer_lowered:
.L_overlay_start_2:
0xa4: {  	(tag) =	ssettag $0x2  }
0xa5: {  	s0 =	rddreg [dreg:$0x0];
	s2 =	stileid.u32  }
0xa6: {  	s1 =	rddreg [dreg:$0x1];
	p0 =	sne.s32 s2, $0x0  }
0xa7: {  	s3 =	rddreg [dreg:$0x2];
	[bflag:$0x3] =	sbarrier.arrive $0xFFFF;
	s2 =	simm.s32 @!p0 $0x1C05  }
0xa8: {  	[timem:s3], [sflag:s2] =	dma.local @!p0 [hbm:s0], s1  }
0xa9: {  	s0 =	simm.s32 @!p0 $0x5  }
0xaa: {  	_ =	swait.ge @!p0 [sflag:s0], s1  }
0xab: {  	s1 =	ssub.s32 @!p0 $0x0, s1;
	[sflag:s0] =	ssyncset.done @!p0 $0x0  }
0xac: {  	[sflag:s0] =	ssyncadd.s32 @!p0 s1  }
0xad: {  	[bflag:$0x3] =	sbarrier.arrive $0xFFFF  }
0xae: {  	_ =	shalt  }

</sc_bundles>
